<compile_context>
chip_gen: v7x
topology: tpu7x:2x2x1
jax: 0.10.2.dev20260603
libtpu: 0.0.44.dev20260713+nightly
codegen_flags: <defaults>
</compile_context>

<pallas_src>
import jax
import jax.numpy as jnp
from jax import lax
from jax.experimental import pallas as pl
from jax.experimental.pallas import tpu as pltpu
from jax.experimental.pallas import tpu_sc as plsc

DIM = 768
NC = 2
NS = 16
NW = NC * NS
LC = 50
LQ = 20
K = 64


def _gather_body(idx_all, table, ctx_out, ctx_out2, q_out, idx_v, buf0, buf1,
                 sem0, sem1, ssem0, ssem1):
    wid = lax.axis_index("s") * NC + lax.axis_index("c")
    b = ctx_out.shape[1]
    kpb = b // K
    n_ctx_chunks = LC * kpb
    n_chunks = (LC + LQ) * kpb
    per_w = n_chunks // NW
    rows_w = per_w * K

    pltpu.sync_copy(idx_all.at[pl.ds(wid * rows_w, rows_w)], idx_v)

    def start_gather(j, buf, sem):
        pltpu.make_async_copy(
            table.at[idx_v.at[pl.ds(j * K, K)]], buf, sem).start()

    def wait_gather(buf, sem):
        pltpu.make_async_copy(
            table.at[idx_v.at[pl.ds(0, K)]], buf, sem).wait()

    def store_chunk(j, buf, ssem, ssem2):
        c = j * NW + wid

        @pl.when(c < n_ctx_chunks)
        def _():
            d1 = ctx_out.at[c // kpb, pl.ds((c % kpb) * K, K)]
            d2 = ctx_out2.at[c // kpb, pl.ds((c % kpb) * K, K)]
            cp1 = pltpu.make_async_copy(buf, d1, ssem)
            cp1.start()
            cp1.wait()
            pltpu.make_async_copy(d1, d2, ssem2).start()

        @pl.when(c >= n_ctx_chunks)
        def _():
            c2 = c - n_ctx_chunks
            pltpu.sync_copy(
                buf, q_out.at[c2 // kpb, pl.ds((c2 % kpb) * K, K)])

    start_gather(0, buf0, sem0)
    start_gather(1, buf1, sem1)

    @pl.loop(0, per_w // 2)
    def _pair(i):
        for buf, sem, par in ((buf0, sem0, 0), (buf1, sem1, 1)):
            j = 2 * i + par
            wait_gather(buf, sem)
            store_chunk(j, buf, ssem0, ssem1)

            @pl.when(j + 2 < per_w)
            def _():
                start_gather(j + 2, buf, sem)

    if per_w % 2:
        wait_gather(buf0, sem0)
        store_chunk(per_w - 1, buf0, ssem0, ssem1)

    @pl.loop(0, n_ctx_chunks // NW)
    def _drain(i):
        pltpu.make_async_copy(
            ctx_out.at[0, pl.ds(0, K)], ctx_out2.at[0, pl.ds(0, K)],
            ssem1).wait()


@jax.jit
def _gather(idx_all, table):
    b = 1024
    mesh = plsc.VectorSubcoreMesh(core_axis_name="c", subcore_axis_name="s")
    f = pl.kernel(
        _gather_body,
        out_type=(
            jax.ShapeDtypeStruct((LC, b, DIM), jnp.float32),
            jax.ShapeDtypeStruct((LC, b, DIM), jnp.float32),
            jax.ShapeDtypeStruct((LQ, b, DIM), jnp.float32),
        ),
        mesh=mesh,
        scratch_types=[
            pltpu.VMEM((idx_all.shape[0] // NW,), jnp.int32),
            pltpu.VMEM((K, DIM), jnp.float32),
            pltpu.VMEM((K, DIM), jnp.float32),
            pltpu.SemaphoreType.DMA,
            pltpu.SemaphoreType.DMA,
            pltpu.SemaphoreType.DMA,
            pltpu.SemaphoreType.DMA,
        ],
    )
    return f(idx_all, table)


def kernel(context, context_lengths, question, question_lengths, table):
    idx_flat = jnp.concatenate(
        [context.T.reshape(-1), question.T.reshape(-1)]).astype(jnp.int32)
    n_chunks = idx_flat.shape[0] // K
    idx_all = jnp.transpose(
        idx_flat.reshape(n_chunks // NW, NW, K), (1, 0, 2)).reshape(-1)
    ctx_t, ctx_t2, q_t = _gather(idx_all, table)
    ctx_e = jnp.transpose(ctx_t, (1, 0, 2))
    ctx_e2 = jnp.transpose(ctx_t2, (1, 0, 2))
    q_e = jnp.transpose(q_t, (1, 0, 2))
    return (ctx_e, ctx_e2, q_e)

# --- scband reference (transcript-rebuilt; emitter-appended) ---
"""Pipeline reference for scband-identity-encoder-90074054132385 (READ-ONLY COPY).

The authoritative reference and input builder live on the scoring server;
editing this copy changes nothing except your own understanding.
"""

import jax, jax.numpy as jnp
import numpy as np

PAD_IDX = 0
VOCAB = 100000
DIM = 768
B = 1024
LC = 50
LQ = 20


def setup_inputs(seed: int = 0) -> dict:
    key = jax.random.key(seed)
    k1, k2, k3, k4, k5 = jax.random.split(key, 5)
    context = jax.random.randint(k1, (B, LC), 0, VOCAB)
    context_lengths = jnp.maximum(jax.random.randint(k2, (B,), 0, LC), 1)
    question = jax.random.randint(k3, (B, LQ), 0, VOCAB)
    question_lengths = jnp.maximum(jax.random.randint(k4, (B,), 0, LQ), 1)
    table = jax.random.normal(k5, (VOCAB, DIM), dtype=jnp.float32) * 0.02
    return {
        "context": context,
        "context_lengths": context_lengths,
        "question": question,
        "question_lengths": question_lengths,
        "table": table,
    }


def reference(context, context_lengths, question, question_lengths, table):
    # IdentityEncoder with rnn_layers=0: pure pretrained-embedding lookup path.
    # CombinedEmbedding (project=False, trained_dimension=0) is an embedding gather.
    context_padding = context == PAD_IDX
    question_padding = question == PAD_IDX
    context_embedded = jnp.take(table, context, axis=0)
    question_embedded = jnp.take(table, question, axis=0)
    # all_layers == [embedded]; transformer_layers=0 -> self_attended_context = last 1 layer
    self_attended_context = context_embedded
    final_context = context_embedded
    final_question = question_embedded
    # context_rnn_state and question_rnn_state are None (rnn_layers == 0)
    return (self_attended_context, final_context, final_question)

if __name__ == "__main__":
    import jax
    _d = setup_inputs()
    print(jax.jit(kernel)(*tuple(_d.values())))

</pallas_src>

<mosaic_0001>
#map = affine_map<(d0, d1) -> (0)>
#map1 = affine_map<(d0, d1) -> (0, 0)>
#map2 = affine_map<(d0, d1) -> (0, 0, 0)>
module attributes {stable_mosaic.version = 14 : i64} {
  func.func @_gather_body(%arg0: i32, %arg1: i32, %arg2: memref<71680xi32, #tpu.memory_space<hbm>>, %arg3: memref<100000x768xf32, #tpu.memory_space<hbm>>, %arg4: memref<50x1024x768xf32, #tpu.memory_space<hbm>>, %arg5: memref<50x1024x768xf32, #tpu.memory_space<hbm>>, %arg6: memref<20x1024x768xf32, #tpu.memory_space<hbm>>, %arg7: memref<2240xi32, #tpu.memory_space<vmem>>, %arg8: memref<64x768xf32, #tpu.memory_space<vmem>>, %arg9: memref<64x768xf32, #tpu.memory_space<vmem>>, %arg10: memref<!tpu.dma_semaphore, #tpu.memory_space<semaphore_mem>>, %arg11: memref<!tpu.dma_semaphore, #tpu.memory_space<semaphore_mem>>, %arg12: memref<!tpu.dma_semaphore, #tpu.memory_space<semaphore_mem>>, %arg13: memref<!tpu.dma_semaphore, #tpu.memory_space<semaphore_mem>>) attributes {dimension_semantics = [#tpu.dimension_semantics<core_parallel>, #tpu.dimension_semantics<subcore_parallel>], iteration_bounds = array<i64: 2, 16>, scalar_prefetch = 0 : i64, scratch_operands = 7 : i64, tpu.core_type = #tpu.core_type<sc_vector_subcore>, window_params = [{transform_indices = #map}, {transform_indices = #map1}, {transform_indices = #map2}, {transform_indices = #map2}, {transform_indices = #map2}]} {
    %mul3A = arith.constant 2 : i32
    %mul3A_0 = arith.muli %arg1, %mul3A : i32
    %add3A = arith.addi %mul3A_0, %arg0 : i32
    %mul3A_1 = arith.constant 2240 : i32
    %mul3A_2 = arith.muli %add3A, %mul3A_1 : i32
    "tpu.region"() ({
      %run_scoped3A = tpu.sem_alloc : memref<!tpu.dma_semaphore, #tpu.memory_space<semaphore_mem>>
      %dma_start3A_33 = tpu.memref_slice %arg2[%mul3A_2] : memref<71680xi32, #tpu.memory_space<hbm>> -> memref<2240xi32, #tpu.memory_space<hbm>>
      %dma_start3A_34 = tpu.memref_slice %arg2[%mul3A_2] : memref<71680xi32, #tpu.memory_space<hbm>> -> memref<2240xi32, #tpu.memory_space<hbm>>
      tpu.enqueue_dma source(%dma_start3A_34 : memref<2240xi32, #tpu.memory_space<hbm>>) target(%arg7 : memref<2240xi32, #tpu.memory_space<vmem>>) target_semaphore(%run_scoped3A : memref<!tpu.dma_semaphore, #tpu.memory_space<semaphore_mem>>)
      %dma_wait3A_35 = tpu.memref_slice %arg2[%mul3A_2] : memref<71680xi32, #tpu.memory_space<hbm>> -> memref<2240xi32, #tpu.memory_space<hbm>>
      %dma_wait3A_36 = tpu.memref_slice %arg2[%mul3A_2] : memref<71680xi32, #tpu.memory_space<hbm>> -> memref<2240xi32, #tpu.memory_space<hbm>>
      tpu.wait_dma2 semaphore(%run_scoped3A : memref<!tpu.dma_semaphore, #tpu.memory_space<semaphore_mem>>) src(%dma_wait3A_36 : memref<2240xi32, #tpu.memory_space<hbm>>) dst(%arg7 : memref<2240xi32, #tpu.memory_space<vmem>>)
      tpu.yield
    }) : () -> ()
    %dma_start3A = arith.constant 0 : i32
    %dma_start3A_3 = tpu.memref_slice %arg7[%dma_start3A] : memref<2240xi32, #tpu.memory_space<vmem>> -> memref<64xi32, #tpu.memory_space<vmem>>
    %dma_start3A_4 = arith.constant 0 : i32
    %dma_start3A_5 = arith.constant 0 : i32
    %dma_start3A_6 = tpu.memref_slice %arg3[%dma_start3A_4, %dma_start3A_5] : memref<100000x768xf32, #tpu.memory_space<hbm>> -> memref<100000x768xf32, #tpu.memory_space<hbm>>
    tpu.enqueue_indirect_dma source(%dma_start3A_6 : memref<100000x768xf32, #tpu.memory_space<hbm>>) target(%arg8 : memref<64x768xf32, #tpu.memory_space<vmem>>) offsets(%dma_start3A_3 : memref<64xi32, #tpu.memory_space<vmem>>) semaphore(%arg10 : memref<!tpu.dma_semaphore, #tpu.memory_space<semaphore_mem>>)
    %dma_start3A_7 = arith.constant 64 : i32
    %dma_start3A_8 = tpu.memref_slice %arg7[%dma_start3A_7] : memref<2240xi32, #tpu.memory_space<vmem>> -> memref<64xi32, #tpu.memory_space<vmem>>
    %dma_start3A_9 = arith.constant 0 : i32
    %dma_start3A_10 = arith.constant 0 : i32
    %dma_start3A_11 = tpu.memref_slice %arg3[%dma_start3A_9, %dma_start3A_10] : memref<100000x768xf32, #tpu.memory_space<hbm>> -> memref<100000x768xf32, #tpu.memory_space<hbm>>
    tpu.enqueue_indirect_dma source(%dma_start3A_11 : memref<100000x768xf32, #tpu.memory_space<hbm>>) target(%arg9 : memref<64x768xf32, #tpu.memory_space<vmem>>) offsets(%dma_start3A_8 : memref<64xi32, #tpu.memory_space<vmem>>) semaphore(%arg11 : memref<!tpu.dma_semaphore, #tpu.memory_space<semaphore_mem>>)
    %scan3A = arith.constant 0 : i32
    %scan3A_12 = arith.constant 17 : i32
    %scan3A_13 = arith.addi %scan3A, %scan3A_12 : i32
    %scan3A_14 = arith.constant 1 : i32
    scf.for %scan3A_33 = %scan3A to %scan3A_13 step %scan3A_14  : i32 {
      %mul3A_34 = arith.constant 1 : i32
      %mul3A_35 = arith.muli %scan3A_33, %mul3A_34 : i32
      %add3A_36 = arith.constant 0 : i32
      %add3A_37 = arith.addi %add3A_36, %mul3A_35 : i32
      %mul3A_38 = arith.constant 2 : i32
      %mul3A_39 = arith.muli %mul3A_38, %add3A_37 : i32
      %add3A_40 = arith.constant 0 : i32
      %add3A_41 = arith.addi %mul3A_39, %add3A_40 : i32
      %dma_wait3A_42 = arith.constant 0 : i32
      %dma_wait3A_43 = tpu.memref_slice %arg7[%dma_wait3A_42] : memref<2240xi32, #tpu.memory_space<vmem>> -> memref<64xi32, #tpu.memory_space<vmem>>
      %dma_wait3A_44 = arith.constant 0 : i32
      %dma_wait3A_45 = arith.constant 0 : i32
      %dma_wait3A_46 = tpu.memref_slice %arg3[%dma_wait3A_44, %dma_wait3A_45] : memref<100000x768xf32, #tpu.memory_space<hbm>> -> memref<100000x768xf32, #tpu.memory_space<hbm>>
      tpu.wait_indirect_dma semaphore(%arg10 : memref<!tpu.dma_semaphore, #tpu.memory_space<semaphore_mem>>) src(%dma_wait3A_46 : memref<100000x768xf32, #tpu.memory_space<hbm>>) dst(%arg8 : memref<64x768xf32, #tpu.memory_space<vmem>>)
      %mul3A_47 = arith.constant 32 : i32
      %mul3A_48 = arith.muli %add3A_41, %mul3A_47 : i32
      %add3A_49 = arith.addi %mul3A_48, %add3A : i32
      %lt3A_50 = arith.constant 800 : i32
      %lt3A_51 = arith.cmpi slt, %add3A_49, %lt3A_50 : i32
      %convert_element_type3A_52 = arith.extui %lt3A_51 : i1 to i32
      %cond3A_53 = arith.constant 0 : i32
      %cond3A_54 = arith.cmpi ne, %convert_element_type3A_52, %cond3A_53 : i32
      scf.if %cond3A_54 {
        %jit3A = arith.constant 16 : i32
        %div3A = arith.divsi %add3A_49, %jit3A : i32
        %sign3A = arith.constant 0 : i32
        %sign3A_96 = arith.cmpi sgt, %add3A_49, %sign3A : i32
        %sign3A_97 = arith.extui %sign3A_96 : i1 to i32
        %sign3A_98 = arith.constant 0 : i32
        %sign3A_99 = arith.cmpi slt, %add3A_49, %sign3A_98 : i32
        %sign3A_100 = arith.extui %sign3A_99 : i1 to i32
        %sign3A_101 = arith.subi %sign3A_97, %sign3A_100 : i32
        %sign3A_102 = arith.constant 0 : i32
        %sign3A_103 = arith.cmpi sgt, %jit3A, %sign3A_102 : i32
        %sign3A_104 = arith.extui %sign3A_103 : i1 to i32
        %sign3A_105 = arith.constant 0 : i32
        %sign3A_106 = arith.cmpi slt, %jit3A, %sign3A_105 : i32
        %sign3A_107 = arith.extui %sign3A_106 : i1 to i32
        %sign3A_108 = arith.subi %sign3A_104, %sign3A_107 : i32
        %ne3A = arith.cmpi ne, %sign3A_101, %sign3A_108 : i32
        %rem3A = arith.remsi %add3A_49, %jit3A : i32
        %ne3A_109 = arith.constant 0 : i32
        %ne3A_110 = arith.cmpi ne, %rem3A, %ne3A_109 : i32
        %and3A = arith.andi %ne3A, %ne3A_110 : i1
        %sub3A = arith.constant 1 : i32
        %sub3A_111 = arith.subi %div3A, %sub3A : i32
        %select_n3A = arith.select %and3A, %sub3A_111, %div3A : i32
        %jit3A_112 = arith.constant 16 : i32
        %eq3A = arith.constant 0 : i32
        %eq3A_113 = arith.cmpi eq, %jit3A_112, %eq3A : i32
        %jit3A_114 = arith.constant 1 : i32
        %select_n3A_115 = arith.select %eq3A_113, %jit3A_114, %jit3A_112 : i32
        %rem3A_116 = arith.remsi %add3A_49, %select_n3A_115 : i32
        %ne3A_117 = arith.constant 0 : i32
        %ne3A_118 = arith.cmpi ne, %rem3A_116, %ne3A_117 : i32
        %lt3A_119 = arith.constant 0 : i32
        %lt3A_120 = arith.cmpi slt, %rem3A_116, %lt3A_119 : i32
        %lt3A_121 = arith.constant 0 : i32
        %lt3A_122 = arith.cmpi slt, %select_n3A_115, %lt3A_121 : i32
        %ne3A_123 = arith.xori %lt3A_120, %lt3A_122 : i1
        %and3A_124 = arith.andi %ne3A_123, %ne3A_118 : i1
        %add3A_125 = arith.addi %rem3A_116, %select_n3A_115 : i32
        %select_n3A_126 = arith.select %and3A_124, %add3A_125, %rem3A_116 : i32
        %mul3A_127 = arith.constant 64 : i32
        %mul3A_128 = arith.muli %select_n3A_126, %mul3A_127 : i32
        %jit3A_129 = arith.constant 16 : i32
        %div3A_130 = arith.divsi %add3A_49, %jit3A_129 : i32
        %sign3A_131 = arith.constant 0 : i32
        %sign3A_132 = arith.cmpi sgt, %add3A_49, %sign3A_131 : i32
        %sign3A_133 = arith.extui %sign3A_132 : i1 to i32
        %sign3A_134 = arith.constant 0 : i32
        %sign3A_135 = arith.cmpi slt, %add3A_49, %sign3A_134 : i32
        %sign3A_136 = arith.extui %sign3A_135 : i1 to i32
        %sign3A_137 = arith.subi %sign3A_133, %sign3A_136 : i32
        %sign3A_138 = arith.constant 0 : i32
        %sign3A_139 = arith.cmpi sgt, %jit3A_129, %sign3A_138 : i32
        %sign3A_140 = arith.extui %sign3A_139 : i1 to i32
        %sign3A_141 = arith.constant 0 : i32
        %sign3A_142 = arith.cmpi slt, %jit3A_129, %sign3A_141 : i32
        %sign3A_143 = arith.extui %sign3A_142 : i1 to i32
        %sign3A_144 = arith.subi %sign3A_140, %sign3A_143 : i32
        %ne3A_145 = arith.cmpi ne, %sign3A_137, %sign3A_144 : i32
        %rem3A_146 = arith.remsi %add3A_49, %jit3A_129 : i32
        %ne3A_147 = arith.constant 0 : i32
        %ne3A_148 = arith.cmpi ne, %rem3A_146, %ne3A_147 : i32
        %and3A_149 = arith.andi %ne3A_145, %ne3A_148 : i1
        %sub3A_150 = arith.constant 1 : i32
        %sub3A_151 = arith.subi %div3A_130, %sub3A_150 : i32
        %select_n3A_152 = arith.select %and3A_149, %sub3A_151, %div3A_130 : i32
        %jit3A_153 = arith.constant 16 : i32
        %eq3A_154 = arith.constant 0 : i32
        %eq3A_155 = arith.cmpi eq, %jit3A_153, %eq3A_154 : i32
        %jit3A_156 = arith.constant 1 : i32
        %select_n3A_157 = arith.select %eq3A_155, %jit3A_156, %jit3A_153 : i32
        %rem3A_158 = arith.remsi %add3A_49, %select_n3A_157 : i32
        %ne3A_159 = arith.constant 0 : i32
        %ne3A_160 = arith.cmpi ne, %rem3A_158, %ne3A_159 : i32
        %lt3A_161 = arith.constant 0 : i32
        %lt3A_162 = arith.cmpi slt, %rem3A_158, %lt3A_161 : i32
        %lt3A_163 = arith.constant 0 : i32
        %lt3A_164 = arith.cmpi slt, %select_n3A_157, %lt3A_163 : i32
        %ne3A_165 = arith.xori %lt3A_162, %lt3A_164 : i1
        %and3A_166 = arith.andi %ne3A_165, %ne3A_160 : i1
        %add3A_167 = arith.addi %rem3A_158, %select_n3A_157 : i32
        %select_n3A_168 = arith.select %and3A_166, %add3A_167, %rem3A_158 : i32
        %mul3A_169 = arith.constant 64 : i32
        %mul3A_170 = arith.muli %select_n3A_168, %mul3A_169 : i32
        %dma_start3A_171 = arith.constant 0 : i32
        %dma_start3A_172 = tpu.memref_slice %arg4[%select_n3A, %mul3A_128, %dma_start3A_171] : memref<50x1024x768xf32, #tpu.memory_space<hbm>> -> memref<1x64x768xf32, #tpu.memory_space<hbm>>
        %dma_start3A_173 = tpu.memref_squeeze %dma_start3A_172 : memref<1x64x768xf32, #tpu.memory_space<hbm>> -> memref<64x768xf32, #tpu.memory_space<hbm>>
        %dma_start3A_174 = arith.constant 0 : i32
        %dma_start3A_175 = tpu.memref_slice %arg4[%select_n3A, %mul3A_128, %dma_start3A_174] : memref<50x1024x768xf32, #tpu.memory_space<hbm>> -> memref<1x64x768xf32, #tpu.memory_space<hbm>>
        %dma_start3A_176 = tpu.memref_squeeze %dma_start3A_175 : memref<1x64x768xf32, #tpu.memory_space<hbm>> -> memref<64x768xf32, #tpu.memory_space<hbm>>
        tpu.enqueue_dma source(%arg8 : memref<64x768xf32, #tpu.memory_space<vmem>>) target(%dma_start3A_176 : memref<64x768xf32, #tpu.memory_space<hbm>>) target_semaphore(%arg12 : memref<!tpu.dma_semaphore, #tpu.memory_space<semaphore_mem>>)
        %dma_wait3A_177 = arith.constant 0 : i32
        %dma_wait3A_178 = tpu.memref_slice %arg4[%select_n3A, %mul3A_128, %dma_wait3A_177] : memref<50x1024x768xf32, #tpu.memory_space<hbm>> -> memref<1x64x768xf32, #tpu.memory_space<hbm>>
        %dma_wait3A_179 = tpu.memref_squeeze %dma_wait3A_178 : memref<1x64x768xf32, #tpu.memory_space<hbm>> -> memref<64x768xf32, #tpu.memory_space<hbm>>
        %dma_wait3A_180 = arith.constant 0 : i32
        %dma_wait3A_181 = tpu.memref_slice %arg4[%select_n3A, %mul3A_128, %dma_wait3A_180] : memref<50x1024x768xf32, #tpu.memory_space<hbm>> -> memref<1x64x768xf32, #tpu.memory_space<hbm>>
        %dma_wait3A_182 = tpu.memref_squeeze %dma_wait3A_181 : memref<1x64x768xf32, #tpu.memory_space<hbm>> -> memref<64x768xf32, #tpu.memory_space<hbm>>
        tpu.wait_dma2 semaphore(%arg12 : memref<!tpu.dma_semaphore, #tpu.memory_space<semaphore_mem>>) src(%arg8 : memref<64x768xf32, #tpu.memory_space<vmem>>) dst(%dma_wait3A_182 : memref<64x768xf32, #tpu.memory_space<hbm>>)
        %dma_start3A_183 = arith.constant 0 : i32
        %dma_start3A_184 = tpu.memref_slice %arg5[%select_n3A_152, %mul3A_170, %dma_start3A_183] : memref<50x1024x768xf32, #tpu.memory_space<hbm>> -> memref<1x64x768xf32, #tpu.memory_space<hbm>>
        %dma_start3A_185 = tpu.memref_squeeze %dma_start3A_184 : memref<1x64x768xf32, #tpu.memory_space<hbm>> -> memref<64x768xf32, #tpu.memory_space<hbm>>
        %dma_start3A_186 = arith.constant 0 : i32
        %dma_start3A_187 = tpu.memref_slice %arg4[%select_n3A, %mul3A_128, %dma_start3A_186] : memref<50x1024x768xf32, #tpu.memory_space<hbm>> -> memref<1x64x768xf32, #tpu.memory_space<hbm>>
        %dma_start3A_188 = tpu.memref_squeeze %dma_start3A_187 : memref<1x64x768xf32, #tpu.memory_space<hbm>> -> memref<64x768xf32, #tpu.memory_space<hbm>>
        tpu.enqueue_dma source(%dma_start3A_188 : memref<64x768xf32, #tpu.memory_space<hbm>>) target(%dma_start3A_185 : memref<64x768xf32, #tpu.memory_space<hbm>>) target_semaphore(%arg13 : memref<!tpu.dma_semaphore, #tpu.memory_space<semaphore_mem>>)
      } else {
      }
      %ge3A_55 = arith.constant 800 : i32
      %ge3A_56 = arith.cmpi sge, %add3A_49, %ge3A_55 : i32
      %convert_element_type3A_57 = arith.extui %ge3A_56 : i1 to i32
      %cond3A_58 = arith.constant 0 : i32
      %cond3A_59 = arith.cmpi ne, %convert_element_type3A_57, %cond3A_58 : i32
      scf.if %cond3A_59 {
        %sub3A = arith.constant 800 : i32
        %sub3A_96 = arith.subi %add3A_49, %sub3A : i32
        %jit3A = arith.constant 16 : i32
        %div3A = arith.divsi %sub3A_96, %jit3A : i32
        %sign3A = arith.constant 0 : i32
        %sign3A_97 = arith.cmpi sgt, %sub3A_96, %sign3A : i32
        %sign3A_98 = arith.extui %sign3A_97 : i1 to i32
        %sign3A_99 = arith.constant 0 : i32
        %sign3A_100 = arith.cmpi slt, %sub3A_96, %sign3A_99 : i32
        %sign3A_101 = arith.extui %sign3A_100 : i1 to i32
        %sign3A_102 = arith.subi %sign3A_98, %sign3A_101 : i32
        %sign3A_103 = arith.constant 0 : i32
        %sign3A_104 = arith.cmpi sgt, %jit3A, %sign3A_103 : i32
        %sign3A_105 = arith.extui %sign3A_104 : i1 to i32
        %sign3A_106 = arith.constant 0 : i32
        %sign3A_107 = arith.cmpi slt, %jit3A, %sign3A_106 : i32
        %sign3A_108 = arith.extui %sign3A_107 : i1 to i32
        %sign3A_109 = arith.subi %sign3A_105, %sign3A_108 : i32
        %ne3A = arith.cmpi ne, %sign3A_102, %sign3A_109 : i32
        %rem3A = arith.remsi %sub3A_96, %jit3A : i32
        %ne3A_110 = arith.constant 0 : i32
        %ne3A_111 = arith.cmpi ne, %rem3A, %ne3A_110 : i32
        %and3A = arith.andi %ne3A, %ne3A_111 : i1
        %sub3A_112 = arith.constant 1 : i32
        %sub3A_113 = arith.subi %div3A, %sub3A_112 : i32
        %select_n3A = arith.select %and3A, %sub3A_113, %div3A : i32
        %jit3A_114 = arith.constant 16 : i32
        %eq3A = arith.constant 0 : i32
        %eq3A_115 = arith.cmpi eq, %jit3A_114, %eq3A : i32
        %jit3A_116 = arith.constant 1 : i32
        %select_n3A_117 = arith.select %eq3A_115, %jit3A_116, %jit3A_114 : i32
        %rem3A_118 = arith.remsi %sub3A_96, %select_n3A_117 : i32
        %ne3A_119 = arith.constant 0 : i32
        %ne3A_120 = arith.cmpi ne, %rem3A_118, %ne3A_119 : i32
        %lt3A_121 = arith.constant 0 : i32
        %lt3A_122 = arith.cmpi slt, %rem3A_118, %lt3A_121 : i32
        %lt3A_123 = arith.constant 0 : i32
        %lt3A_124 = arith.cmpi slt, %select_n3A_117, %lt3A_123 : i32
        %ne3A_125 = arith.xori %lt3A_122, %lt3A_124 : i1
        %and3A_126 = arith.andi %ne3A_125, %ne3A_120 : i1
        %add3A_127 = arith.addi %rem3A_118, %select_n3A_117 : i32
        %select_n3A_128 = arith.select %and3A_126, %add3A_127, %rem3A_118 : i32
        %mul3A_129 = arith.constant 64 : i32
        %mul3A_130 = arith.muli %select_n3A_128, %mul3A_129 : i32
        "tpu.region"() ({
          %run_scoped3A = tpu.sem_alloc : memref<!tpu.dma_semaphore, #tpu.memory_space<semaphore_mem>>
          %dma_start3A_131 = arith.constant 0 : i32
          %dma_start3A_132 = tpu.memref_slice %arg6[%select_n3A, %mul3A_130, %dma_start3A_131] : memref<20x1024x768xf32, #tpu.memory_space<hbm>> -> memref<1x64x768xf32, #tpu.memory_space<hbm>>
          %dma_start3A_133 = tpu.memref_squeeze %dma_start3A_132 : memref<1x64x768xf32, #tpu.memory_space<hbm>> -> memref<64x768xf32, #tpu.memory_space<hbm>>
          %dma_start3A_134 = arith.constant 0 : i32
          %dma_start3A_135 = tpu.memref_slice %arg6[%select_n3A, %mul3A_130, %dma_start3A_134] : memref<20x1024x768xf32, #tpu.memory_space<hbm>> -> memref<1x64x768xf32, #tpu.memory_space<hbm>>
          %dma_start3A_136 = tpu.memref_squeeze %dma_start3A_135 : memref<1x64x768xf32, #tpu.memory_space<hbm>> -> memref<64x768xf32, #tpu.memory_space<hbm>>
          tpu.enqueue_dma source(%arg8 : memref<64x768xf32, #tpu.memory_space<vmem>>) target(%dma_start3A_136 : memref<64x768xf32, #tpu.memory_space<hbm>>) target_semaphore(%run_scoped3A : memref<!tpu.dma_semaphore, #tpu.memory_space<semaphore_mem>>)
          %dma_wait3A_137 = arith.constant 0 : i32
          %dma_wait3A_138 = tpu.memref_slice %arg6[%select_n3A, %mul3A_130, %dma_wait3A_137] : memref<20x1024x768xf32, #tpu.memory_space<hbm>> -> memref<1x64x768xf32, #tpu.memory_space<hbm>>
          %dma_wait3A_139 = tpu.memref_squeeze %dma_wait3A_138 : memref<1x64x768xf32, #tpu.memory_space<hbm>> -> memref<64x768xf32, #tpu.memory_space<hbm>>
          %dma_wait3A_140 = arith.constant 0 : i32
          %dma_wait3A_141 = tpu.memref_slice %arg6[%select_n3A, %mul3A_130, %dma_wait3A_140] : memref<20x1024x768xf32, #tpu.memory_space<hbm>> -> memref<1x64x768xf32, #tpu.memory_space<hbm>>
          %dma_wait3A_142 = tpu.memref_squeeze %dma_wait3A_141 : memref<1x64x768xf32, #tpu.memory_space<hbm>> -> memref<64x768xf32, #tpu.memory_space<hbm>>
          tpu.wait_dma2 semaphore(%run_scoped3A : memref<!tpu.dma_semaphore, #tpu.memory_space<semaphore_mem>>) src(%arg8 : memref<64x768xf32, #tpu.memory_space<vmem>>) dst(%dma_wait3A_142 : memref<64x768xf32, #tpu.memory_space<hbm>>)
          tpu.yield
        }) : () -> ()
      } else {
      }
      %add3A_60 = arith.constant 2 : i32
      %add3A_61 = arith.addi %add3A_41, %add3A_60 : i32
      %lt3A_62 = arith.constant 35 : i32
      %lt3A_63 = arith.cmpi slt, %add3A_61, %lt3A_62 : i32
      %convert_element_type3A_64 = arith.extui %lt3A_63 : i1 to i32
      %cond3A_65 = arith.constant 0 : i32
      %cond3A_66 = arith.cmpi ne, %convert_element_type3A_64, %cond3A_65 : i32
      scf.if %cond3A_66 {
        %add3A_96 = arith.constant 2 : i32
        %add3A_97 = arith.addi %add3A_41, %add3A_96 : i32
        %mul3A_98 = arith.constant 64 : i32
        %mul3A_99 = arith.muli %add3A_97, %mul3A_98 : i32
        %dma_start3A_100 = tpu.memref_slice %arg7[%mul3A_99] : memref<2240xi32, #tpu.memory_space<vmem>> -> memref<64xi32, #tpu.memory_space<vmem>>
        %dma_start3A_101 = arith.constant 0 : i32
        %dma_start3A_102 = arith.constant 0 : i32
        %dma_start3A_103 = tpu.memref_slice %arg3[%dma_start3A_101, %dma_start3A_102] : memref<100000x768xf32, #tpu.memory_space<hbm>> -> memref<100000x768xf32, #tpu.memory_space<hbm>>
        tpu.enqueue_indirect_dma source(%dma_start3A_103 : memref<100000x768xf32, #tpu.memory_space<hbm>>) target(%arg8 : memref<64x768xf32, #tpu.memory_space<vmem>>) offsets(%dma_start3A_100 : memref<64xi32, #tpu.memory_space<vmem>>) semaphore(%arg10 : memref<!tpu.dma_semaphore, #tpu.memory_space<semaphore_mem>>)
      } else {
      }
      %mul3A_67 = arith.constant 2 : i32
      %mul3A_68 = arith.muli %mul3A_67, %add3A_37 : i32
      %add3A_69 = arith.constant 1 : i32
      %add3A_70 = arith.addi %mul3A_68, %add3A_69 : i32
      %dma_wait3A_71 = arith.constant 0 : i32
      %dma_wait3A_72 = tpu.memref_slice %arg7[%dma_wait3A_71] : memref<2240xi32, #tpu.memory_space<vmem>> -> memref<64xi32, #tpu.memory_space<vmem>>
      %dma_wait3A_73 = arith.constant 0 : i32
      %dma_wait3A_74 = arith.constant 0 : i32
      %dma_wait3A_75 = tpu.memref_slice %arg3[%dma_wait3A_73, %dma_wait3A_74] : memref<100000x768xf32, #tpu.memory_space<hbm>> -> memref<100000x768xf32, #tpu.memory_space<hbm>>
      tpu.wait_indirect_dma semaphore(%arg11 : memref<!tpu.dma_semaphore, #tpu.memory_space<semaphore_mem>>) src(%dma_wait3A_75 : memref<100000x768xf32, #tpu.memory_space<hbm>>) dst(%arg9 : memref<64x768xf32, #tpu.memory_space<vmem>>)
      %mul3A_76 = arith.constant 32 : i32
      %mul3A_77 = arith.muli %add3A_70, %mul3A_76 : i32
      %add3A_78 = arith.addi %mul3A_77, %add3A : i32
      %lt3A_79 = arith.constant 800 : i32
      %lt3A_80 = arith.cmpi slt, %add3A_78, %lt3A_79 : i32
      %convert_element_type3A_81 = arith.extui %lt3A_80 : i1 to i32
      %cond3A_82 = arith.constant 0 : i32
      %cond3A_83 = arith.cmpi ne, %convert_element_type3A_81, %cond3A_82 : i32
      scf.if %cond3A_83 {
        %jit3A = arith.constant 16 : i32
        %div3A = arith.divsi %add3A_78, %jit3A : i32
        %sign3A = arith.constant 0 : i32
        %sign3A_96 = arith.cmpi sgt, %add3A_78, %sign3A : i32
        %sign3A_97 = arith.extui %sign3A_96 : i1 to i32
        %sign3A_98 = arith.constant 0 : i32
        %sign3A_99 = arith.cmpi slt, %add3A_78, %sign3A_98 : i32
        %sign3A_100 = arith.extui %sign3A_99 : i1 to i32
        %sign3A_101 = arith.subi %sign3A_97, %sign3A_100 : i32
        %sign3A_102 = arith.constant 0 : i32
        %sign3A_103 = arith.cmpi sgt, %jit3A, %sign3A_102 : i32
        %sign3A_104 = arith.extui %sign3A_103 : i1 to i32
        %sign3A_105 = arith.constant 0 : i32
        %sign3A_106 = arith.cmpi slt, %jit3A, %sign3A_105 : i32
        %sign3A_107 = arith.extui %sign3A_106 : i1 to i32
        %sign3A_108 = arith.subi %sign3A_104, %sign3A_107 : i32
        %ne3A = arith.cmpi ne, %sign3A_101, %sign3A_108 : i32
        %rem3A = arith.remsi %add3A_78, %jit3A : i32
        %ne3A_109 = arith.constant 0 : i32
        %ne3A_110 = arith.cmpi ne, %rem3A, %ne3A_109 : i32
        %and3A = arith.andi %ne3A, %ne3A_110 : i1
        %sub3A = arith.constant 1 : i32
        %sub3A_111 = arith.subi %div3A, %sub3A : i32
        %select_n3A = arith.select %and3A, %sub3A_111, %div3A : i32
        %jit3A_112 = arith.constant 16 : i32
        %eq3A = arith.constant 0 : i32
        %eq3A_113 = arith.cmpi eq, %jit3A_112, %eq3A : i32
        %jit3A_114 = arith.constant 1 : i32
        %select_n3A_115 = arith.select %eq3A_113, %jit3A_114, %jit3A_112 : i32
        %rem3A_116 = arith.remsi %add3A_78, %select_n3A_115 : i32
        %ne3A_117 = arith.constant 0 : i32
        %ne3A_118 = arith.cmpi ne, %rem3A_116, %ne3A_117 : i32
        %lt3A_119 = arith.constant 0 : i32
        %lt3A_120 = arith.cmpi slt, %rem3A_116, %lt3A_119 : i32
        %lt3A_121 = arith.constant 0 : i32
        %lt3A_122 = arith.cmpi slt, %select_n3A_115, %lt3A_121 : i32
        %ne3A_123 = arith.xori %lt3A_120, %lt3A_122 : i1
        %and3A_124 = arith.andi %ne3A_123, %ne3A_118 : i1
        %add3A_125 = arith.addi %rem3A_116, %select_n3A_115 : i32
        %select_n3A_126 = arith.select %and3A_124, %add3A_125, %rem3A_116 : i32
        %mul3A_127 = arith.constant 64 : i32
        %mul3A_128 = arith.muli %select_n3A_126, %mul3A_127 : i32
        %jit3A_129 = arith.constant 16 : i32
        %div3A_130 = arith.divsi %add3A_78, %jit3A_129 : i32
        %sign3A_131 = arith.constant 0 : i32
        %sign3A_132 = arith.cmpi sgt, %add3A_78, %sign3A_131 : i32
        %sign3A_133 = arith.extui %sign3A_132 : i1 to i32
        %sign3A_134 = arith.constant 0 : i32
        %sign3A_135 = arith.cmpi slt, %add3A_78, %sign3A_134 : i32
        %sign3A_136 = arith.extui %sign3A_135 : i1 to i32
        %sign3A_137 = arith.subi %sign3A_133, %sign3A_136 : i32
        %sign3A_138 = arith.constant 0 : i32
        %sign3A_139 = arith.cmpi sgt, %jit3A_129, %sign3A_138 : i32
        %sign3A_140 = arith.extui %sign3A_139 : i1 to i32
        %sign3A_141 = arith.constant 0 : i32
        %sign3A_142 = arith.cmpi slt, %jit3A_129, %sign3A_141 : i32
        %sign3A_143 = arith.extui %sign3A_142 : i1 to i32
        %sign3A_144 = arith.subi %sign3A_140, %sign3A_143 : i32
        %ne3A_145 = arith.cmpi ne, %sign3A_137, %sign3A_144 : i32
        %rem3A_146 = arith.remsi %add3A_78, %jit3A_129 : i32
        %ne3A_147 = arith.constant 0 : i32
        %ne3A_148 = arith.cmpi ne, %rem3A_146, %ne3A_147 : i32
        %and3A_149 = arith.andi %ne3A_145, %ne3A_148 : i1
        %sub3A_150 = arith.constant 1 : i32
        %sub3A_151 = arith.subi %div3A_130, %sub3A_150 : i32
        %select_n3A_152 = arith.select %and3A_149, %sub3A_151, %div3A_130 : i32
        %jit3A_153 = arith.constant 16 : i32
        %eq3A_154 = arith.constant 0 : i32
        %eq3A_155 = arith.cmpi eq, %jit3A_153, %eq3A_154 : i32
        %jit3A_156 = arith.constant 1 : i32
        %select_n3A_157 = arith.select %eq3A_155, %jit3A_156, %jit3A_153 : i32
        %rem3A_158 = arith.remsi %add3A_78, %select_n3A_157 : i32
        %ne3A_159 = arith.constant 0 : i32
        %ne3A_160 = arith.cmpi ne, %rem3A_158, %ne3A_159 : i32
        %lt3A_161 = arith.constant 0 : i32
        %lt3A_162 = arith.cmpi slt, %rem3A_158, %lt3A_161 : i32
        %lt3A_163 = arith.constant 0 : i32
        %lt3A_164 = arith.cmpi slt, %select_n3A_157, %lt3A_163 : i32
        %ne3A_165 = arith.xori %lt3A_162, %lt3A_164 : i1
        %and3A_166 = arith.andi %ne3A_165, %ne3A_160 : i1
        %add3A_167 = arith.addi %rem3A_158, %select_n3A_157 : i32
        %select_n3A_168 = arith.select %and3A_166, %add3A_167, %rem3A_158 : i32
        %mul3A_169 = arith.constant 64 : i32
        %mul3A_170 = arith.muli %select_n3A_168, %mul3A_169 : i32
        %dma_start3A_171 = arith.constant 0 : i32
        %dma_start3A_172 = tpu.memref_slice %arg4[%select_n3A, %mul3A_128, %dma_start3A_171] : memref<50x1024x768xf32, #tpu.memory_space<hbm>> -> memref<1x64x768xf32, #tpu.memory_space<hbm>>
        %dma_start3A_173 = tpu.memref_squeeze %dma_start3A_172 : memref<1x64x768xf32, #tpu.memory_space<hbm>> -> memref<64x768xf32, #tpu.memory_space<hbm>>
        %dma_start3A_174 = arith.constant 0 : i32
        %dma_start3A_175 = tpu.memref_slice %arg4[%select_n3A, %mul3A_128, %dma_start3A_174] : memref<50x1024x768xf32, #tpu.memory_space<hbm>> -> memref<1x64x768xf32, #tpu.memory_space<hbm>>
        %dma_start3A_176 = tpu.memref_squeeze %dma_start3A_175 : memref<1x64x768xf32, #tpu.memory_space<hbm>> -> memref<64x768xf32, #tpu.memory_space<hbm>>
        tpu.enqueue_dma source(%arg9 : memref<64x768xf32, #tpu.memory_space<vmem>>) target(%dma_start3A_176 : memref<64x768xf32, #tpu.memory_space<hbm>>) target_semaphore(%arg12 : memref<!tpu.dma_semaphore, #tpu.memory_space<semaphore_mem>>)
        %dma_wait3A_177 = arith.constant 0 : i32
        %dma_wait3A_178 = tpu.memref_slice %arg4[%select_n3A, %mul3A_128, %dma_wait3A_177] : memref<50x1024x768xf32, #tpu.memory_space<hbm>> -> memref<1x64x768xf32, #tpu.memory_space<hbm>>
        %dma_wait3A_179 = tpu.memref_squeeze %dma_wait3A_178 : memref<1x64x768xf32, #tpu.memory_space<hbm>> -> memref<64x768xf32, #tpu.memory_space<hbm>>
        %dma_wait3A_180 = arith.constant 0 : i32
        %dma_wait3A_181 = tpu.memref_slice %arg4[%select_n3A, %mul3A_128, %dma_wait3A_180] : memref<50x1024x768xf32, #tpu.memory_space<hbm>> -> memref<1x64x768xf32, #tpu.memory_space<hbm>>
        %dma_wait3A_182 = tpu.memref_squeeze %dma_wait3A_181 : memref<1x64x768xf32, #tpu.memory_space<hbm>> -> memref<64x768xf32, #tpu.memory_space<hbm>>
        tpu.wait_dma2 semaphore(%arg12 : memref<!tpu.dma_semaphore, #tpu.memory_space<semaphore_mem>>) src(%arg9 : memref<64x768xf32, #tpu.memory_space<vmem>>) dst(%dma_wait3A_182 : memref<64x768xf32, #tpu.memory_space<hbm>>)
        %dma_start3A_183 = arith.constant 0 : i32
        %dma_start3A_184 = tpu.memref_slice %arg5[%select_n3A_152, %mul3A_170, %dma_start3A_183] : memref<50x1024x768xf32, #tpu.memory_space<hbm>> -> memref<1x64x768xf32, #tpu.memory_space<hbm>>
        %dma_start3A_185 = tpu.memref_squeeze %dma_start3A_184 : memref<1x64x768xf32, #tpu.memory_space<hbm>> -> memref<64x768xf32, #tpu.memory_space<hbm>>
        %dma_start3A_186 = arith.constant 0 : i32
        %dma_start3A_187 = tpu.memref_slice %arg4[%select_n3A, %mul3A_128, %dma_start3A_186] : memref<50x1024x768xf32, #tpu.memory_space<hbm>> -> memref<1x64x768xf32, #tpu.memory_space<hbm>>
        %dma_start3A_188 = tpu.memref_squeeze %dma_start3A_187 : memref<1x64x768xf32, #tpu.memory_space<hbm>> -> memref<64x768xf32, #tpu.memory_space<hbm>>
        tpu.enqueue_dma source(%dma_start3A_188 : memref<64x768xf32, #tpu.memory_space<hbm>>) target(%dma_start3A_185 : memref<64x768xf32, #tpu.memory_space<hbm>>) target_semaphore(%arg13 : memref<!tpu.dma_semaphore, #tpu.memory_space<semaphore_mem>>)
      } else {
      }
      %ge3A_84 = arith.constant 800 : i32
      %ge3A_85 = arith.cmpi sge, %add3A_78, %ge3A_84 : i32
      %convert_element_type3A_86 = arith.extui %ge3A_85 : i1 to i32
      %cond3A_87 = arith.constant 0 : i32
      %cond3A_88 = arith.cmpi ne, %convert_element_type3A_86, %cond3A_87 : i32
      scf.if %cond3A_88 {
        %sub3A = arith.constant 800 : i32
        %sub3A_96 = arith.subi %add3A_78, %sub3A : i32
        %jit3A = arith.constant 16 : i32
        %div3A = arith.divsi %sub3A_96, %jit3A : i32
        %sign3A = arith.constant 0 : i32
        %sign3A_97 = arith.cmpi sgt, %sub3A_96, %sign3A : i32
        %sign3A_98 = arith.extui %sign3A_97 : i1 to i32
        %sign3A_99 = arith.constant 0 : i32
        %sign3A_100 = arith.cmpi slt, %sub3A_96, %sign3A_99 : i32
        %sign3A_101 = arith.extui %sign3A_100 : i1 to i32
        %sign3A_102 = arith.subi %sign3A_98, %sign3A_101 : i32
        %sign3A_103 = arith.constant 0 : i32
        %sign3A_104 = arith.cmpi sgt, %jit3A, %sign3A_103 : i32
        %sign3A_105 = arith.extui %sign3A_104 : i1 to i32
        %sign3A_106 = arith.constant 0 : i32
        %sign3A_107 = arith.cmpi slt, %jit3A, %sign3A_106 : i32
        %sign3A_108 = arith.extui %sign3A_107 : i1 to i32
        %sign3A_109 = arith.subi %sign3A_105, %sign3A_108 : i32
        %ne3A = arith.cmpi ne, %sign3A_102, %sign3A_109 : i32
        %rem3A = arith.remsi %sub3A_96, %jit3A : i32
        %ne3A_110 = arith.constant 0 : i32
        %ne3A_111 = arith.cmpi ne, %rem3A, %ne3A_110 : i32
        %and3A = arith.andi %ne3A, %ne3A_111 : i1
        %sub3A_112 = arith.constant 1 : i32
        %sub3A_113 = arith.subi %div3A, %sub3A_112 : i32
        %select_n3A = arith.select %and3A, %sub3A_113, %div3A : i32
        %jit3A_114 = arith.constant 16 : i32
        %eq3A = arith.constant 0 : i32
        %eq3A_115 = arith.cmpi eq, %jit3A_114, %eq3A : i32
        %jit3A_116 = arith.constant 1 : i32
        %select_n3A_117 = arith.select %eq3A_115, %jit3A_116, %jit3A_114 : i32
        %rem3A_118 = arith.remsi %sub3A_96, %select_n3A_117 : i32
        %ne3A_119 = arith.constant 0 : i32
        %ne3A_120 = arith.cmpi ne, %rem3A_118, %ne3A_119 : i32
        %lt3A_121 = arith.constant 0 : i32
        %lt3A_122 = arith.cmpi slt, %rem3A_118, %lt3A_121 : i32
        %lt3A_123 = arith.constant 0 : i32
        %lt3A_124 = arith.cmpi slt, %select_n3A_117, %lt3A_123 : i32
        %ne3A_125 = arith.xori %lt3A_122, %lt3A_124 : i1
        %and3A_126 = arith.andi %ne3A_125, %ne3A_120 : i1
        %add3A_127 = arith.addi %rem3A_118, %select_n3A_117 : i32
        %select_n3A_128 = arith.select %and3A_126, %add3A_127, %rem3A_118 : i32
        %mul3A_129 = arith.constant 64 : i32
        %mul3A_130 = arith.muli %select_n3A_128, %mul3A_129 : i32
        "tpu.region"() ({
          %run_scoped3A = tpu.sem_alloc : memref<!tpu.dma_semaphore, #tpu.memory_space<semaphore_mem>>
          %dma_start3A_131 = arith.constant 0 : i32
          %dma_start3A_132 = tpu.memref_slice %arg6[%select_n3A, %mul3A_130, %dma_start3A_131] : memref<20x1024x768xf32, #tpu.memory_space<hbm>> -> memref<1x64x768xf32, #tpu.memory_space<hbm>>
          %dma_start3A_133 = tpu.memref_squeeze %dma_start3A_132 : memref<1x64x768xf32, #tpu.memory_space<hbm>> -> memref<64x768xf32, #tpu.memory_space<hbm>>
          %dma_start3A_134 = arith.constant 0 : i32
          %dma_start3A_135 = tpu.memref_slice %arg6[%select_n3A, %mul3A_130, %dma_start3A_134] : memref<20x1024x768xf32, #tpu.memory_space<hbm>> -> memref<1x64x768xf32, #tpu.memory_space<hbm>>
          %dma_start3A_136 = tpu.memref_squeeze %dma_start3A_135 : memref<1x64x768xf32, #tpu.memory_space<hbm>> -> memref<64x768xf32, #tpu.memory_space<hbm>>
          tpu.enqueue_dma source(%arg9 : memref<64x768xf32, #tpu.memory_space<vmem>>) target(%dma_start3A_136 : memref<64x768xf32, #tpu.memory_space<hbm>>) target_semaphore(%run_scoped3A : memref<!tpu.dma_semaphore, #tpu.memory_space<semaphore_mem>>)
          %dma_wait3A_137 = arith.constant 0 : i32
          %dma_wait3A_138 = tpu.memref_slice %arg6[%select_n3A, %mul3A_130, %dma_wait3A_137] : memref<20x1024x768xf32, #tpu.memory_space<hbm>> -> memref<1x64x768xf32, #tpu.memory_space<hbm>>
          %dma_wait3A_139 = tpu.memref_squeeze %dma_wait3A_138 : memref<1x64x768xf32, #tpu.memory_space<hbm>> -> memref<64x768xf32, #tpu.memory_space<hbm>>
          %dma_wait3A_140 = arith.constant 0 : i32
          %dma_wait3A_141 = tpu.memref_slice %arg6[%select_n3A, %mul3A_130, %dma_wait3A_140] : memref<20x1024x768xf32, #tpu.memory_space<hbm>> -> memref<1x64x768xf32, #tpu.memory_space<hbm>>
          %dma_wait3A_142 = tpu.memref_squeeze %dma_wait3A_141 : memref<1x64x768xf32, #tpu.memory_space<hbm>> -> memref<64x768xf32, #tpu.memory_space<hbm>>
          tpu.wait_dma2 semaphore(%run_scoped3A : memref<!tpu.dma_semaphore, #tpu.memory_space<semaphore_mem>>) src(%arg9 : memref<64x768xf32, #tpu.memory_space<vmem>>) dst(%dma_wait3A_142 : memref<64x768xf32, #tpu.memory_space<hbm>>)
          tpu.yield
        }) : () -> ()
      } else {
      }
      %add3A_89 = arith.constant 2 : i32
      %add3A_90 = arith.addi %add3A_70, %add3A_89 : i32
      %lt3A_91 = arith.constant 35 : i32
      %lt3A_92 = arith.cmpi slt, %add3A_90, %lt3A_91 : i32
      %convert_element_type3A_93 = arith.extui %lt3A_92 : i1 to i32
      %cond3A_94 = arith.constant 0 : i32
      %cond3A_95 = arith.cmpi ne, %convert_element_type3A_93, %cond3A_94 : i32
      scf.if %cond3A_95 {
        %add3A_96 = arith.constant 2 : i32
        %add3A_97 = arith.addi %add3A_70, %add3A_96 : i32
        %mul3A_98 = arith.constant 64 : i32
        %mul3A_99 = arith.muli %add3A_97, %mul3A_98 : i32
        %dma_start3A_100 = tpu.memref_slice %arg7[%mul3A_99] : memref<2240xi32, #tpu.memory_space<vmem>> -> memref<64xi32, #tpu.memory_space<vmem>>
        %dma_start3A_101 = arith.constant 0 : i32
        %dma_start3A_102 = arith.constant 0 : i32
        %dma_start3A_103 = tpu.memref_slice %arg3[%dma_start3A_101, %dma_start3A_102] : memref<100000x768xf32, #tpu.memory_space<hbm>> -> memref<100000x768xf32, #tpu.memory_space<hbm>>
        tpu.enqueue_indirect_dma source(%dma_start3A_103 : memref<100000x768xf32, #tpu.memory_space<hbm>>) target(%arg9 : memref<64x768xf32, #tpu.memory_space<vmem>>) offsets(%dma_start3A_100 : memref<64xi32, #tpu.memory_space<vmem>>) semaphore(%arg11 : memref<!tpu.dma_semaphore, #tpu.memory_space<semaphore_mem>>)
      } else {
      }
    }
    %scan3A_15 = arith.constant 17 : i32
    %dma_wait3A = arith.constant 0 : i32
    %dma_wait3A_16 = tpu.memref_slice %arg7[%dma_wait3A] : memref<2240xi32, #tpu.memory_space<vmem>> -> memref<64xi32, #tpu.memory_space<vmem>>
    %dma_wait3A_17 = arith.constant 0 : i32
    %dma_wait3A_18 = arith.constant 0 : i32
    %dma_wait3A_19 = tpu.memref_slice %arg3[%dma_wait3A_17, %dma_wait3A_18] : memref<100000x768xf32, #tpu.memory_space<hbm>> -> memref<100000x768xf32, #tpu.memory_space<hbm>>
    tpu.wait_indirect_dma semaphore(%arg10 : memref<!tpu.dma_semaphore, #tpu.memory_space<semaphore_mem>>) src(%dma_wait3A_19 : memref<100000x768xf32, #tpu.memory_space<hbm>>) dst(%arg8 : memref<64x768xf32, #tpu.memory_space<vmem>>)
    %add3A_20 = arith.constant 1088 : i32
    %add3A_21 = arith.addi %add3A_20, %add3A : i32
    %lt3A = arith.constant 800 : i32
    %lt3A_22 = arith.cmpi slt, %add3A_21, %lt3A : i32
    %convert_element_type3A = arith.extui %lt3A_22 : i1 to i32
    %cond3A = arith.constant 0 : i32
    %cond3A_23 = arith.cmpi ne, %convert_element_type3A, %cond3A : i32
    scf.if %cond3A_23 {
      %jit3A = arith.constant 16 : i32
      %div3A = arith.divsi %add3A_21, %jit3A : i32
      %sign3A = arith.constant 0 : i32
      %sign3A_33 = arith.cmpi sgt, %add3A_21, %sign3A : i32
      %sign3A_34 = arith.extui %sign3A_33 : i1 to i32
      %sign3A_35 = arith.constant 0 : i32
      %sign3A_36 = arith.cmpi slt, %add3A_21, %sign3A_35 : i32
      %sign3A_37 = arith.extui %sign3A_36 : i1 to i32
      %sign3A_38 = arith.subi %sign3A_34, %sign3A_37 : i32
      %sign3A_39 = arith.constant 0 : i32
      %sign3A_40 = arith.cmpi sgt, %jit3A, %sign3A_39 : i32
      %sign3A_41 = arith.extui %sign3A_40 : i1 to i32
      %sign3A_42 = arith.constant 0 : i32
      %sign3A_43 = arith.cmpi slt, %jit3A, %sign3A_42 : i32
      %sign3A_44 = arith.extui %sign3A_43 : i1 to i32
      %sign3A_45 = arith.subi %sign3A_41, %sign3A_44 : i32
      %ne3A = arith.cmpi ne, %sign3A_38, %sign3A_45 : i32
      %rem3A = arith.remsi %add3A_21, %jit3A : i32
      %ne3A_46 = arith.constant 0 : i32
      %ne3A_47 = arith.cmpi ne, %rem3A, %ne3A_46 : i32
      %and3A = arith.andi %ne3A, %ne3A_47 : i1
      %sub3A = arith.constant 1 : i32
      %sub3A_48 = arith.subi %div3A, %sub3A : i32
      %select_n3A = arith.select %and3A, %sub3A_48, %div3A : i32
      %jit3A_49 = arith.constant 16 : i32
      %eq3A = arith.constant 0 : i32
      %eq3A_50 = arith.cmpi eq, %jit3A_49, %eq3A : i32
      %jit3A_51 = arith.constant 1 : i32
      %select_n3A_52 = arith.select %eq3A_50, %jit3A_51, %jit3A_49 : i32
      %rem3A_53 = arith.remsi %add3A_21, %select_n3A_52 : i32
      %ne3A_54 = arith.constant 0 : i32
      %ne3A_55 = arith.cmpi ne, %rem3A_53, %ne3A_54 : i32
      %lt3A_56 = arith.constant 0 : i32
      %lt3A_57 = arith.cmpi slt, %rem3A_53, %lt3A_56 : i32
      %lt3A_58 = arith.constant 0 : i32
      %lt3A_59 = arith.cmpi slt, %select_n3A_52, %lt3A_58 : i32
      %ne3A_60 = arith.xori %lt3A_57, %lt3A_59 : i1
      %and3A_61 = arith.andi %ne3A_60, %ne3A_55 : i1
      %add3A_62 = arith.addi %rem3A_53, %select_n3A_52 : i32
      %select_n3A_63 = arith.select %and3A_61, %add3A_62, %rem3A_53 : i32
      %mul3A_64 = arith.constant 64 : i32
      %mul3A_65 = arith.muli %select_n3A_63, %mul3A_64 : i32
      %jit3A_66 = arith.constant 16 : i32
      %div3A_67 = arith.divsi %add3A_21, %jit3A_66 : i32
      %sign3A_68 = arith.constant 0 : i32
      %sign3A_69 = arith.cmpi sgt, %add3A_21, %sign3A_68 : i32
      %sign3A_70 = arith.extui %sign3A_69 : i1 to i32
      %sign3A_71 = arith.constant 0 : i32
      %sign3A_72 = arith.cmpi slt, %add3A_21, %sign3A_71 : i32
      %sign3A_73 = arith.extui %sign3A_72 : i1 to i32
      %sign3A_74 = arith.subi %sign3A_70, %sign3A_73 : i32
      %sign3A_75 = arith.constant 0 : i32
      %sign3A_76 = arith.cmpi sgt, %jit3A_66, %sign3A_75 : i32
      %sign3A_77 = arith.extui %sign3A_76 : i1 to i32
      %sign3A_78 = arith.constant 0 : i32
      %sign3A_79 = arith.cmpi slt, %jit3A_66, %sign3A_78 : i32
      %sign3A_80 = arith.extui %sign3A_79 : i1 to i32
      %sign3A_81 = arith.subi %sign3A_77, %sign3A_80 : i32
      %ne3A_82 = arith.cmpi ne, %sign3A_74, %sign3A_81 : i32
      %rem3A_83 = arith.remsi %add3A_21, %jit3A_66 : i32
      %ne3A_84 = arith.constant 0 : i32
      %ne3A_85 = arith.cmpi ne, %rem3A_83, %ne3A_84 : i32
      %and3A_86 = arith.andi %ne3A_82, %ne3A_85 : i1
      %sub3A_87 = arith.constant 1 : i32
      %sub3A_88 = arith.subi %div3A_67, %sub3A_87 : i32
      %select_n3A_89 = arith.select %and3A_86, %sub3A_88, %div3A_67 : i32
      %jit3A_90 = arith.constant 16 : i32
      %eq3A_91 = arith.constant 0 : i32
      %eq3A_92 = arith.cmpi eq, %jit3A_90, %eq3A_91 : i32
      %jit3A_93 = arith.constant 1 : i32
      %select_n3A_94 = arith.select %eq3A_92, %jit3A_93, %jit3A_90 : i32
      %rem3A_95 = arith.remsi %add3A_21, %select_n3A_94 : i32
      %ne3A_96 = arith.constant 0 : i32
      %ne3A_97 = arith.cmpi ne, %rem3A_95, %ne3A_96 : i32
      %lt3A_98 = arith.constant 0 : i32
      %lt3A_99 = arith.cmpi slt, %rem3A_95, %lt3A_98 : i32
      %lt3A_100 = arith.constant 0 : i32
      %lt3A_101 = arith.cmpi slt, %select_n3A_94, %lt3A_100 : i32
      %ne3A_102 = arith.xori %lt3A_99, %lt3A_101 : i1
      %and3A_103 = arith.andi %ne3A_102, %ne3A_97 : i1
      %add3A_104 = arith.addi %rem3A_95, %select_n3A_94 : i32
      %select_n3A_105 = arith.select %and3A_103, %add3A_104, %rem3A_95 : i32
      %mul3A_106 = arith.constant 64 : i32
      %mul3A_107 = arith.muli %select_n3A_105, %mul3A_106 : i32
      %dma_start3A_108 = arith.constant 0 : i32
      %dma_start3A_109 = tpu.memref_slice %arg4[%select_n3A, %mul3A_65, %dma_start3A_108] : memref<50x1024x768xf32, #tpu.memory_space<hbm>> -> memref<1x64x768xf32, #tpu.memory_space<hbm>>
      %dma_start3A_110 = tpu.memref_squeeze %dma_start3A_109 : memref<1x64x768xf32, #tpu.memory_space<hbm>> -> memref<64x768xf32, #tpu.memory_space<hbm>>
      %dma_start3A_111 = arith.constant 0 : i32
      %dma_start3A_112 = tpu.memref_slice %arg4[%select_n3A, %mul3A_65, %dma_start3A_111] : memref<50x1024x768xf32, #tpu.memory_space<hbm>> -> memref<1x64x768xf32, #tpu.memory_space<hbm>>
      %dma_start3A_113 = tpu.memref_squeeze %dma_start3A_112 : memref<1x64x768xf32, #tpu.memory_space<hbm>> -> memref<64x768xf32, #tpu.memory_space<hbm>>
      tpu.enqueue_dma source(%arg8 : memref<64x768xf32, #tpu.memory_space<vmem>>) target(%dma_start3A_113 : memref<64x768xf32, #tpu.memory_space<hbm>>) target_semaphore(%arg12 : memref<!tpu.dma_semaphore, #tpu.memory_space<semaphore_mem>>)
      %dma_wait3A_114 = arith.constant 0 : i32
      %dma_wait3A_115 = tpu.memref_slice %arg4[%select_n3A, %mul3A_65, %dma_wait3A_114] : memref<50x1024x768xf32, #tpu.memory_space<hbm>> -> memref<1x64x768xf32, #tpu.memory_space<hbm>>
      %dma_wait3A_116 = tpu.memref_squeeze %dma_wait3A_115 : memref<1x64x768xf32, #tpu.memory_space<hbm>> -> memref<64x768xf32, #tpu.memory_space<hbm>>
      %dma_wait3A_117 = arith.constant 0 : i32
      %dma_wait3A_118 = tpu.memref_slice %arg4[%select_n3A, %mul3A_65, %dma_wait3A_117] : memref<50x1024x768xf32, #tpu.memory_space<hbm>> -> memref<1x64x768xf32, #tpu.memory_space<hbm>>
      %dma_wait3A_119 = tpu.memref_squeeze %dma_wait3A_118 : memref<1x64x768xf32, #tpu.memory_space<hbm>> -> memref<64x768xf32, #tpu.memory_space<hbm>>
      tpu.wait_dma2 semaphore(%arg12 : memref<!tpu.dma_semaphore, #tpu.memory_space<semaphore_mem>>) src(%arg8 : memref<64x768xf32, #tpu.memory_space<vmem>>) dst(%dma_wait3A_119 : memref<64x768xf32, #tpu.memory_space<hbm>>)
      %dma_start3A_120 = arith.constant 0 : i32
      %dma_start3A_121 = tpu.memref_slice %arg5[%select_n3A_89, %mul3A_107, %dma_start3A_120] : memref<50x1024x768xf32, #tpu.memory_space<hbm>> -> memref<1x64x768xf32, #tpu.memory_space<hbm>>
      %dma_start3A_122 = tpu.memref_squeeze %dma_start3A_121 : memref<1x64x768xf32, #tpu.memory_space<hbm>> -> memref<64x768xf32, #tpu.memory_space<hbm>>
      %dma_start3A_123 = arith.constant 0 : i32
      %dma_start3A_124 = tpu.memref_slice %arg4[%select_n3A, %mul3A_65, %dma_start3A_123] : memref<50x1024x768xf32, #tpu.memory_space<hbm>> -> memref<1x64x768xf32, #tpu.memory_space<hbm>>
      %dma_start3A_125 = tpu.memref_squeeze %dma_start3A_124 : memref<1x64x768xf32, #tpu.memory_space<hbm>> -> memref<64x768xf32, #tpu.memory_space<hbm>>
      tpu.enqueue_dma source(%dma_start3A_125 : memref<64x768xf32, #tpu.memory_space<hbm>>) target(%dma_start3A_122 : memref<64x768xf32, #tpu.memory_space<hbm>>) target_semaphore(%arg13 : memref<!tpu.dma_semaphore, #tpu.memory_space<semaphore_mem>>)
    } else {
    }
    %ge3A = arith.constant 800 : i32
    %ge3A_24 = arith.cmpi sge, %add3A_21, %ge3A : i32
    %convert_element_type3A_25 = arith.extui %ge3A_24 : i1 to i32
    %cond3A_26 = arith.constant 0 : i32
    %cond3A_27 = arith.cmpi ne, %convert_element_type3A_25, %cond3A_26 : i32
    scf.if %cond3A_27 {
      %sub3A = arith.constant 800 : i32
      %sub3A_33 = arith.subi %add3A_21, %sub3A : i32
      %jit3A = arith.constant 16 : i32
      %div3A = arith.divsi %sub3A_33, %jit3A : i32
      %sign3A = arith.constant 0 : i32
      %sign3A_34 = arith.cmpi sgt, %sub3A_33, %sign3A : i32
      %sign3A_35 = arith.extui %sign3A_34 : i1 to i32
      %sign3A_36 = arith.constant 0 : i32
      %sign3A_37 = arith.cmpi slt, %sub3A_33, %sign3A_36 : i32
      %sign3A_38 = arith.extui %sign3A_37 : i1 to i32
      %sign3A_39 = arith.subi %sign3A_35, %sign3A_38 : i32
      %sign3A_40 = arith.constant 0 : i32
      %sign3A_41 = arith.cmpi sgt, %jit3A, %sign3A_40 : i32
      %sign3A_42 = arith.extui %sign3A_41 : i1 to i32
      %sign3A_43 = arith.constant 0 : i32
      %sign3A_44 = arith.cmpi slt, %jit3A, %sign3A_43 : i32
      %sign3A_45 = arith.extui %sign3A_44 : i1 to i32
      %sign3A_46 = arith.subi %sign3A_42, %sign3A_45 : i32
      %ne3A = arith.cmpi ne, %sign3A_39, %sign3A_46 : i32
      %rem3A = arith.remsi %sub3A_33, %jit3A : i32
      %ne3A_47 = arith.constant 0 : i32
      %ne3A_48 = arith.cmpi ne, %rem3A, %ne3A_47 : i32
      %and3A = arith.andi %ne3A, %ne3A_48 : i1
      %sub3A_49 = arith.constant 1 : i32
      %sub3A_50 = arith.subi %div3A, %sub3A_49 : i32
      %select_n3A = arith.select %and3A, %sub3A_50, %div3A : i32
      %jit3A_51 = arith.constant 16 : i32
      %eq3A = arith.constant 0 : i32
      %eq3A_52 = arith.cmpi eq, %jit3A_51, %eq3A : i32
      %jit3A_53 = arith.constant 1 : i32
      %select_n3A_54 = arith.select %eq3A_52, %jit3A_53, %jit3A_51 : i32
      %rem3A_55 = arith.remsi %sub3A_33, %select_n3A_54 : i32
      %ne3A_56 = arith.constant 0 : i32
      %ne3A_57 = arith.cmpi ne, %rem3A_55, %ne3A_56 : i32
      %lt3A_58 = arith.constant 0 : i32
      %lt3A_59 = arith.cmpi slt, %rem3A_55, %lt3A_58 : i32
      %lt3A_60 = arith.constant 0 : i32
      %lt3A_61 = arith.cmpi slt, %select_n3A_54, %lt3A_60 : i32
      %ne3A_62 = arith.xori %lt3A_59, %lt3A_61 : i1
      %and3A_63 = arith.andi %ne3A_62, %ne3A_57 : i1
      %add3A_64 = arith.addi %rem3A_55, %select_n3A_54 : i32
      %select_n3A_65 = arith.select %and3A_63, %add3A_64, %rem3A_55 : i32
      %mul3A_66 = arith.constant 64 : i32
      %mul3A_67 = arith.muli %select_n3A_65, %mul3A_66 : i32
      "tpu.region"() ({
        %run_scoped3A = tpu.sem_alloc : memref<!tpu.dma_semaphore, #tpu.memory_space<semaphore_mem>>
        %dma_start3A_68 = arith.constant 0 : i32
        %dma_start3A_69 = tpu.memref_slice %arg6[%select_n3A, %mul3A_67, %dma_start3A_68] : memref<20x1024x768xf32, #tpu.memory_space<hbm>> -> memref<1x64x768xf32, #tpu.memory_space<hbm>>
        %dma_start3A_70 = tpu.memref_squeeze %dma_start3A_69 : memref<1x64x768xf32, #tpu.memory_space<hbm>> -> memref<64x768xf32, #tpu.memory_space<hbm>>
        %dma_start3A_71 = arith.constant 0 : i32
        %dma_start3A_72 = tpu.memref_slice %arg6[%select_n3A, %mul3A_67, %dma_start3A_71] : memref<20x1024x768xf32, #tpu.memory_space<hbm>> -> memref<1x64x768xf32, #tpu.memory_space<hbm>>
        %dma_start3A_73 = tpu.memref_squeeze %dma_start3A_72 : memref<1x64x768xf32, #tpu.memory_space<hbm>> -> memref<64x768xf32, #tpu.memory_space<hbm>>
        tpu.enqueue_dma source(%arg8 : memref<64x768xf32, #tpu.memory_space<vmem>>) target(%dma_start3A_73 : memref<64x768xf32, #tpu.memory_space<hbm>>) target_semaphore(%run_scoped3A : memref<!tpu.dma_semaphore, #tpu.memory_space<semaphore_mem>>)
        %dma_wait3A_74 = arith.constant 0 : i32
        %dma_wait3A_75 = tpu.memref_slice %arg6[%select_n3A, %mul3A_67, %dma_wait3A_74] : memref<20x1024x768xf32, #tpu.memory_space<hbm>> -> memref<1x64x768xf32, #tpu.memory_space<hbm>>
        %dma_wait3A_76 = tpu.memref_squeeze %dma_wait3A_75 : memref<1x64x768xf32, #tpu.memory_space<hbm>> -> memref<64x768xf32, #tpu.memory_space<hbm>>
        %dma_wait3A_77 = arith.constant 0 : i32
        %dma_wait3A_78 = tpu.memref_slice %arg6[%select_n3A, %mul3A_67, %dma_wait3A_77] : memref<20x1024x768xf32, #tpu.memory_space<hbm>> -> memref<1x64x768xf32, #tpu.memory_space<hbm>>
        %dma_wait3A_79 = tpu.memref_squeeze %dma_wait3A_78 : memref<1x64x768xf32, #tpu.memory_space<hbm>> -> memref<64x768xf32, #tpu.memory_space<hbm>>
        tpu.wait_dma2 semaphore(%run_scoped3A : memref<!tpu.dma_semaphore, #tpu.memory_space<semaphore_mem>>) src(%arg8 : memref<64x768xf32, #tpu.memory_space<vmem>>) dst(%dma_wait3A_79 : memref<64x768xf32, #tpu.memory_space<hbm>>)
        tpu.yield
      }) : () -> ()
    } else {
    }
    %scan3A_28 = arith.constant 0 : i32
    %scan3A_29 = arith.constant 25 : i32
    %scan3A_30 = arith.addi %scan3A_28, %scan3A_29 : i32
    %scan3A_31 = arith.constant 1 : i32
    scf.for %scan3A_33 = %scan3A_28 to %scan3A_30 step %scan3A_31  : i32 {
      %mul3A_34 = arith.constant 1 : i32
      %mul3A_35 = arith.muli %scan3A_33, %mul3A_34 : i32
      %add3A_36 = arith.constant 0 : i32
      %add3A_37 = arith.addi %add3A_36, %mul3A_35 : i32
      %dma_wait3A_38 = arith.constant 0 : i32
      %dma_wait3A_39 = arith.constant 0 : i32
      %dma_wait3A_40 = arith.constant 0 : i32
      %dma_wait3A_41 = arith.constant 0 : i32
      %dma_wait3A_42 = tpu.memref_slice %arg5[%dma_wait3A_39, %dma_wait3A_40, %dma_wait3A_41] : memref<50x1024x768xf32, #tpu.memory_space<hbm>> -> memref<1x64x768xf32, #tpu.memory_space<hbm>>
      %dma_wait3A_43 = tpu.memref_squeeze %dma_wait3A_42 : memref<1x64x768xf32, #tpu.memory_space<hbm>> -> memref<64x768xf32, #tpu.memory_space<hbm>>
      %dma_wait3A_44 = arith.constant 0 : i32
      %dma_wait3A_45 = arith.constant 0 : i32
      %dma_wait3A_46 = tpu.memref_slice %arg4[%dma_wait3A_38, %dma_wait3A_44, %dma_wait3A_45] : memref<50x1024x768xf32, #tpu.memory_space<hbm>> -> memref<1x64x768xf32, #tpu.memory_space<hbm>>
      %dma_wait3A_47 = tpu.memref_squeeze %dma_wait3A_46 : memref<1x64x768xf32, #tpu.memory_space<hbm>> -> memref<64x768xf32, #tpu.memory_space<hbm>>
      tpu.wait_dma2 semaphore(%arg13 : memref<!tpu.dma_semaphore, #tpu.memory_space<semaphore_mem>>) src(%dma_wait3A_47 : memref<64x768xf32, #tpu.memory_space<hbm>>) dst(%dma_wait3A_43 : memref<64x768xf32, #tpu.memory_space<hbm>>)
    }
    %scan3A_32 = arith.constant 25 : i32
    return
  }
}

</mosaic_0001>

<sc_bundles>
// kernel: _gather.3.cloned.1.call-start
scs
__scs_entry_jumppad:
0x0: {  	(pc) =	sbr.rel $0x88, $3  }
0x1: {  	(tag) =	ssettag $0x0;
	lr =	simm.s32 $0x1  }
0x2: {  	[smem:$0x3F9F] =	sst lr;
	_ =	strace $0xD0000000  }
0x3: {  	_ = 	snop  }
0x4: {  	_ = 	snop  }
0x5: {  	_ = 	snop  }
0x6: {  	_ = 	snop  }
0x7: {  	_ = 	snop  }
__scs_overlays_trampoline_lowered:
0x8: {  	[smem:$0x3FAE] =	sst s0  }
0x9: {  	[smem:$0x3FAF] =	sst s1  }
0xa: {  	[smem:$0x3FB0] =	sst s2  }
0xb: {  	[smem:$0x3FB1] =	sst s3  }
0xc: {  	[smem:$0x3FB2] =	sst s4  }
0xd: {  	[smem:$0x3FB3] =	sst s5  }
0xe: {  	[smem:$0x3FB4] =	sst s6  }
0xf: {  	[smem:$0x3FB5] =	sst s7  }
0x10: {  	[smem:$0x3FB6] =	sst s8  }
0x11: {  	[smem:$0x3FB7] =	sst s9;
	s0 =	simm.s32 @!p0 $0x0  }
0x12: {  	s1 =	sld [smem:$0x3F9D];
	s0 =	simm.s32 @p0 $0x1  }
0x13: {  	[smem:$0x3FB8] =	sst s0;
	s0 =	simm.s32 @!p1 $0x0  }
0x14: {  	s2 =	sld [smem:$0x3F9C];
	s0 =	simm.s32 @p1 $0x1  }
0x15: {  	[smem:$0x3FB9] =	sst s0;
	s0 =	simm.s32 @!p2 $0x0  }
0x16: {  	s3 =	sld [smem:$0x3FDB];
	s0 =	simm.s32 @p2 $0x1  }
0x17: {  	s4 =	simm.s32 $0x1BF5;
	[smem:$0x3FBB] =	sst s0  }
0x18: {  	s0 =	sld [smem:$0x3F9E];
	_ =	swait.ge [sflag:s4], $0x0  }
0x19: {  	s7 =	sld [smem:$0x3F9F]  }
0x1a: {  	s8 =	sadd.s32 $0xFFFFE003, lr  }
0x1b: {  	s9 =	sadd.s32 $0xFFFFFEF7, lr;
	s5 =	simm.s32 $0xFFFFFFFF;
	p2 =	slt.u32 s8, $0xFFFFF086  }
0x1c: {  	p1 =	slt.u32 s9, $0xF7A;
	s5 =	simm.s32 @!p2 $0x0  }
0x1d: {  	s5 =	simm.s32 @p1 $0x1;
	p0 =	seq.s32 s7, s2  }
0x1e: {  	s7 =	smul.u32 @!p0 $0xF7A, s2;
	p2 =	seq.s32 @!p0 s5, $0x0  }
0x1f: {  	s9 =	smul.u32 $0xF7A, s1;
	s8 =	simm.s32 @!p0 $0x1BF5;
	p2 =	por !p2, p0  }
0x20: {  	[sflag:s8] =	ssyncset.s32 @!p0 $0xFFFFF086;
	s6 =	sadd.s32 @!p0 s3, s7;
	s7 =	simm.s32 @!p0 $0x108  }
0x21: {  	s3 =	sadd.s32 s3, s9;
	s6 =	sadd.s32 @!p0 $0x88, s6;
	s7 =	simm.s32 @p2 $0x1082  }
0x22: {  	[simem:s7], [sflag:s8] =	dma.local @!p0 [hbm:s6], $0xF7A  }
0x23: {  	s9 =	sor.u32 $0xD0000000, s2;
	s6 =	simm.s32 $0x108;
	_ =	swait.ge @!p0 [sflag:s8], $0x0  }
0x24: {  	s3 =	sadd.s32 $0x88, s3;
	s6 =	simm.s32 @!p1 $0x1082;
	[sflag:s4] =	ssyncset.s32 $0xFFFFF086  }
0x25: {  	[simem:s6], [sflag:s4] =	dma.local [hbm:s3], $0xF7A  }
0x26: {  	[smem:$0x3F9F] =	sst s1;
	(tag) =	ssettag s2;
	_ =	strace s9  }
0x27: {  	s1 =	sld [smem:$0x3FAF]  }
0x28: {  	s2 =	sld [smem:$0x3FB0]  }
0x29: {  	s4 =	sld [smem:$0x3FB2]  }
0x2a: {  	p0 =	seq.s32 s5, $0x0;
	s5 =	sld [smem:$0x3FB3]  }
0x2b: {  	s6 =	sld [smem:$0x3FB4]  }
0x2c: {  	s7 =	sld [smem:$0x3FB5]  }
0x2d: {  	s3 =	simm.s32 $0x108;
	s8 =	sld [smem:$0x3FB6]  }
0x2e: {  	s3 =	simm.s32 @!p0 $0x1082;
	s9 =	sld [smem:$0x3FB7]  }
0x2f: {  	lr =	sadd.s32 s0, s3;
	s0 =	sld [smem:$0x3FAE]  }
0x30: {  	s3 =	sld [smem:$0x3FB1]  }
0x31: {  	[smem:$0x3FBA] =	sst s10  }
0x32: {  	s10 =	sld [smem:$0x3FB8];
	_ =	sdelay $0x3  }
0x33: {  	p0 =	seq.s32 s10, $0x1;
	s10 =	sld [smem:$0x3FBA];
	_ =	sdelay $0x3  }
0x34: {  	[smem:$0x3FBA] =	sst s10  }
0x35: {  	s10 =	sld [smem:$0x3FB9];
	_ =	sdelay $0x3  }
0x36: {  	p1 =	seq.s32 s10, $0x1;
	s10 =	sld [smem:$0x3FBA];
	_ =	sdelay $0x3  }
0x37: {  	[smem:$0x3FBA] =	sst s10  }
0x38: {  	s10 =	sld [smem:$0x3FBB]  }
0x39: {  	_ = 	snop;
	(pc) =	sbr.ind lr, $3  }
0x3a: {  	_ = 	snop  }
0x3b: {  	_ = 	snop  }
0x3c: {  	p2 =	seq.s32 s10, $0x1;
	s10 =	sld [smem:$0x3FBA]  }
0x3d: {  	_ =	shalt  }
0x3e: {  	_ =	shalt  }
0x3f: {  	_ =	shalt  }
0x40: {  	_ =	shalt  }
0x41: {  	_ =	shalt  }
0x42: {  	_ =	shalt  }
0x43: {  	_ =	shalt  }
0x44: {  	_ =	shalt  }
0x45: {  	_ =	shalt  }
0x46: {  	_ =	shalt  }
0x47: {  	_ =	shalt  }
0x48: {  	_ =	shalt  }
0x49: {  	_ =	shalt  }
0x4a: {  	_ =	shalt  }
0x4b: {  	_ =	shalt  }
0x4c: {  	_ =	shalt  }
0x4d: {  	_ =	shalt  }
0x4e: {  	_ =	shalt  }
0x4f: {  	_ =	shalt  }
0x50: {  	_ =	shalt  }
0x51: {  	_ =	shalt  }
0x52: {  	_ =	shalt  }
0x53: {  	_ =	shalt  }
0x54: {  	_ =	shalt  }
0x55: {  	_ =	shalt  }
0x56: {  	_ =	shalt  }
0x57: {  	_ =	shalt  }
0x58: {  	_ =	shalt  }
0x59: {  	_ =	shalt  }
0x5a: {  	_ =	shalt  }
0x5b: {  	_ =	shalt  }
0x5c: {  	_ =	shalt  }
0x5d: {  	_ =	shalt  }
0x5e: {  	_ =	shalt  }
0x5f: {  	_ =	shalt  }
0x60: {  	_ =	shalt  }
0x61: {  	_ =	shalt  }
0x62: {  	_ =	shalt  }
0x63: {  	_ =	shalt  }
0x64: {  	_ =	shalt  }
0x65: {  	_ =	shalt  }
0x66: {  	_ =	shalt  }
0x67: {  	_ =	shalt  }
0x68: {  	_ =	shalt  }
0x69: {  	_ =	shalt  }
0x6a: {  	_ =	shalt  }
0x6b: {  	_ =	shalt  }
0x6c: {  	_ =	shalt  }
0x6d: {  	_ =	shalt  }
0x6e: {  	_ =	shalt  }
0x6f: {  	_ =	shalt  }
0x70: {  	_ =	shalt  }
0x71: {  	_ =	shalt  }
0x72: {  	_ =	shalt  }
0x73: {  	_ =	shalt  }
0x74: {  	_ =	shalt  }
0x75: {  	_ =	shalt  }
0x76: {  	_ =	shalt  }
0x77: {  	_ =	shalt  }
0x78: {  	_ =	shalt  }
0x79: {  	_ =	shalt  }
0x7a: {  	_ =	shalt  }
0x7b: {  	_ =	shalt  }
0x7c: {  	_ =	shalt  }
0x7d: {  	_ =	shalt  }
0x7e: {  	_ =	shalt  }
0x7f: {  	_ =	shalt  }
0x80: {  	_ =	shalt  }
0x81: {  	_ =	shalt  }
0x82: {  	_ =	shalt  }
0x83: {  	_ =	shalt  }
0x84: {  	_ =	shalt  }
0x85: {  	_ =	shalt  }
0x86: {  	_ =	shalt  }
0x87: {  	_ =	shalt  }
.Lfunc_end0:
.L_simem_size_0:
called_computation_lowered:
.L_overlay_start_0:
0x88: {  	s2 =	sld [smem:$0x3FD9]  }
0x89: {  	s3 =	sld [smem:$0x3FFE];
	_ =	sdelay $0x1  }
0x8a: {  	s1 =	srdreg.scid  }
0x8b: {  	s0 =	sand.u32 $0x1, s1  }
0x8c: {  	s15 =	sshll.u32 s0, $0xA;
	s2 =	sadd.s32 s3, s2  }
0x8d: {  	s2 =	sadd.s32 s2, s15  }
0x8e: {  	[smem:$0x3FC6] =	sst s2  }
0x8f: {  	_ = 	snop  }
0x90: {  	s2 =	sld [smem:$0x3FD0];
	_ =	sdelay $0x1  }
0x91: {  	s16 =	sld [smem:$0x3FC9]  }
0x92: {  	s5 =	simm.s32 $0xA;
	s6 =	simm.s32 $0x10;
	s4 =	sld [smem:$0x3FC8]  }
0x93: {  	[smem:s6], [sflag:s5] =	dma.local [hbm:s2], $0x1  }
0x94: {  	_ =	swait.eq [sflag:s5], $0x1  }
0x95: {  	s17 =	sld [smem:$0x10];
	[sflag:s5] =	ssyncset.done $0x0  }
0x96: {  	s18 =	sld [smem:$0x11];
	[sflag:s5] =	ssyncadd.s32 $0xFFFFFFFF  }
0x97: {  	s19 =	sld [smem:$0x12];
	(tm) =	ssettm $0x1  }
0x98: {  	s7 =	sld [smem:$0x3FFB];
	_ =	sdelay $0x3  }
0x99: {  	_ =	strace s7  }
0x9a: {  	s7 =	sld [smem:$0x3FFC];
	_ =	sdelay $0x3  }
0x9b: {  	_ =	strace s7  }
0x9c: {  	s7 =	sld [smem:$0x3FFD];
	_ =	sdelay $0x3  }
0x9d: {  	_ =	strace s7  }
0x9e: {  	_ =	strace $0x8FFFFFFF  }
0x9f: {  	s20 =	sld [smem:$0x3FDB];
	_ =	sdelay $0x1  }
0xa0: {  	s8 =	simm.s32 $_scs_section_size  }
0xa1: {  	s9 =	simm.s32 $_size__tile_overlayer_lowered;
	s10 =	simm.s32 $_tile_overlayer_lowered  }
0xa2: {  	s23 =	simm.s32 $0x1BFF;
	s22 =	sshll.u32 s10, $0x1;
	s7 =	sadd.s32 s8, s20  }
0xa3: {  	s11 =	simm.s32 $0x0;
	s21 =	sshll.u32 s9, $0x1;
	s9 =	sadd.s32 s22, s7  }
0xa4: {  	[timem:s11], [sflag:s23] =	dma.local [hbm:s9], s21  }
0xa5: {  	_ =	swait.ge [sflag:s23], s21  }
0xa6: {  	s8 =	ssub.s32 $0x0, s21;
	[sflag:s23] =	ssyncset.done $0x0  }
0xa7: {  	[sflag:s23] =	ssyncadd.s32 s8;
	_ =	sdelay $0x1  }
0xa8: {  	s24 =	simm.s32 $0x1B8B  }
0xa9: {  	_ =	swait.ge [sflag:s24], $0x1  }
0xaa: {  	[sflag:s24] =	ssyncset.done $0x0  }
0xab: {  	s25 =	simm.s32 $0x1B8E;
	[sflag:s24] =	ssyncadd.s32 $0xFFFFFFFF  }
0xac: {  	s26 =	simm.s32 $execute0_lowered;
	[smem:$0x3FD2] =	sst s25  }
0xad: {  	s8 =	sshll.u32 s26, $0x1;
	_ =	strace $0x80000046;
	[dreg:$0x1] =	wrdreg $0xFFFFFFFF  }
0xae: {  	s28 =	simm.s32 $_size_execute0_lowered;
	s7 =	sadd.s32 s7, s8;
	[dreg:$0x0] =	wrdreg $0x0  }
0xaf: {  	s8 =	sshll.u32 s28, $0x1;
	[dreg:$0x2] =	wrdreg s7  }
0xb0: {  	[dreg:$0x3] =	wrdreg s8  }
0xb1: {  	[dreg:$0x4] =	wrdreg $0xC0  }
0xb2: {  	_ =	task [dreg:s11], $0x5FFFF  }
0xb3: {  	[dreg:$0x1] =	wrdreg $0xFFFFFFFF  }
0xb4: {  	[dreg:$0x0] =	wrdreg $0x60  }
0xb5: {  	[dreg:$0x2] =	wrdreg s16  }
0xb6: {  	[dreg:$0x3] =	wrdreg s4  }
0xb7: {  	[dreg:$0x4] =	wrdreg s17  }
0xb8: {  	[dreg:$0x5] =	wrdreg s18  }
0xb9: {  	[dreg:$0x6] =	wrdreg s19  }
0xba: {  	[dreg:$0x7] =	wrdreg $0x9  }
0xbb: {  	_ =	task.clear_ibuf [dreg:s11], $0x8FFFF;
	_ =	strace $0x90000046  }
0xbc: {  	s29 =	simm.s32 $0x9;
	_ =	strace $0x80000048  }
0xbd: {  	_ =	swait.ge [sflag:s29], $0x1  }
0xbe: {  	[sflag:s29] =	ssyncadd.s32 $0xFFFFFFFF  }
0xbf: {  	_ =	strace $0x90000048  }
0xc0: {  	_ =	sfence  }
0xc1: {  	s30 =	sld [smem:$0x0];
	_ =	sdelay $0x2  }
0xc2: {  	s31 =	sshll.u32 s1, $0xD;
	s1 =	sshrl.u32 s1, $0x2  }
0xc3: {  	s3 =	sand.u32 $0x4000, s31;
	s1 =	sadd.s32 s1, s30  }
0xc4: {  	s0 =	sor.u32 s3, s0;
	s1 =	sshll.u32 s1, $0x11  }
0xc5: {  	s0 =	sor.u32 s1, s0  }
0xc6: {  	s0 =	sadd.s32 $0x8F2B, s0  }
0xc7: {  	[sflag:s0] =	ssyncadd.remote.s32 $0x1  }
0xc8: {  	_ =	sfence.sel $0xFFFF  }
0xc9: {  	[dreg:$0x0] =	wrdreg $0xFFFFFFFF;
	(pc) =	sbr.abs _section_cstart, $3  }
0xca: {  	[dreg:$0x1] =	wrdreg $0xFFFFFFFF  }
0xcb: {  	_ =	task.clear_ibuf [dreg:s11], $0x2FFFF;
	_ =	strace $0x9FFFFFFF  }
0xcc: {  	(tm) =	ssettm $0x7FFFFFFF  }
0xcd: {  	_ =	shalt  }
tec
execute0_lowered:
.L_overlay_start_1:
0x0: {  	(tag) =	ssettag $0x1  }
0x1: {  	s2 =	rddreg [dreg:$0x0]  }
0x2: {  	s1 =	rddreg [dreg:$0x1]  }
0x3: {  	s14 =	rddreg [dreg:$0x2]  }
0x4: {  	s15 =	rddreg [dreg:$0x3];
	s3 =	srdreg.scid  }
0x5: {  	s0 =	stileid.u32;
	s5 =	rddreg [dreg:$0x4];
	s6 =	simm.s32 $0x0  }
0x6: {  	s28 =	simm.s32 $0x15100;
	s19 =	simm.s32 $0x15900;
	s29 =	simm.s32 $0x16900  }
0x7: {  	s16 =	simm.s32 $0x18100;
	s30 =	simm.s32 $0x1;
	s17 =	simm.s32 $0x2  }
0x8: {  	s3 =	sand.u32 $0x1, s3;
	s4 =	sshll.u32 s0, $0x1;
	[smem:$0x7FF] =	sst s6  }
0x9: {  	s11 =	sshll.u32 s0, $0x4;
	s12 =	sshrl.u32 s0, $0x3;
	s7 =	sor.u32 s3, s4  }
0xa: {  	s9 =	ssub.s32 $0x2, s3;
	s3 =	sshll.u32 s3, $0x3;
	s13 =	sshrl.u32 s4, $0x4  }
0xb: {  	s21 =	smul.u32 $0xC0000, s12;
	s12 =	sadd.s32 $0x200, s1;
	s4 =	simm.s32 $0x0  }
0xc: {  	s8 =	sshll.u32 s7, $0x3;
	s10 =	smul.u32 $0x118, s7;
	s3 =	sor.u32 s3, s11  }
0xd: {  	[dreg:$0x6] =	wrdreg s13;
	s22 =	sor.u32 $0x2, s13;
	s23 =	sshrl.u32 s9, $0x1  }
0xe: {  	s11 =	sadd.s32 $0x100, s1;
	s8 =	sand.u32 $0x78, s8;
	s3 =	sshrl.u32 s3, $0x3  }
0xf: {  	s13 =	smul.u32 $0xC0000, s22;
	_ =	strace $0x80000047;
	s9 =	ssub.s32 s9, s23  }
0x10: {  	s22 =	simm.s32 $0x17900;
	s23 =	simm.s32 $0x4;
	s8 =	smul.u32 $0x1800, s8  }
0x11: {  	s3 =	sand.u32 $0xF, s3;
	s2 =	sadd.s32 s2, s10;
	s25 =	smax.u32 s9, $0x1  }
0x12: {  	s3 =	smul.u32 $0xC000, s3;
	[dreg:$0x7] =	wrdreg s2;
	s24 =	sadd.s32 s8, s21  }
0x13: {  	s9 =	simm.s32 $0x16100;
	[dreg:$0x9] =	wrdreg s25;
	s2 =	sshrl.u32 s24, $0x3  }
.Ltmp0:
0x14: {  	s3 =	sadd.s32 s3, s13;
	s2 =	sadd.s32 s5, s2;
	(pc) =	sbr.rel .LBB2_1-.Ltmp0, $4  }
0x15: {  	s25 =	simm.s32 $0x900;
	s3 =	sshrl.u32 s3, $0x3;
	s2 =	sadd.s32 $0x1B0000, s2  }
0x16: {  	v2 =	vlaneseq.u32;
	s13 =	sand.u32 $0xF, s7;
	s26 =	sadd.s32 s3, s15;
	[dreg:$0x8] =	wrdreg s2  }
0x17: {  	vm0 =	vmmov $0xffff;
	v1 =	vshrl.u32 v2, $0x3;
	s31 =	sadd.s32 s3, s14;
	s3 =	simm.s32 $0x5;
	[dreg:$0xa] =	wrdreg s26  }
0x18: {  	v0 =	vand.u32 $0x7, v2;
	v2 =	vor.u32 $0x8, v2;
	v1 =	vmul.u32 $0x8, v1;
	s14 =	simm.s32 $0x14900;
	s15 =	simm.s32 $0x17100;
	[dreg:$0xb] =	wrdreg s31  }
.LBB2_4:
0x19: {  	_ =	swait.ge [sflag:s30], $0xC000  }
0x1a: {  	[sflag:s30] =	ssyncset.done $0x0  }
0x1b: {  	s3 =	simm.s32 $0x5;
	s2 =	rddreg [dreg:$0x8];
	[sflag:s30] =	ssyncadd.s32 $0xFFFF4000  }
0x1c: {  	[hbm4b:s2+s6] =	stream.linear.scatter [tilespmem:s25], [sflag:$0x5], $0xC000, $0x38;
	[tilespmem:$0x18900] =	vst v63  }
0x1d: {  	_ =	swait.ge [sflag:s3], $0xC000  }
0x1e: {  	[sflag:s3] =	ssyncset.done $0x0  }
0x1f: {  	[sflag:s3] =	ssyncadd.s32 $0xFFFF4000  }
0x20: {  	_ =	swait.ge [sflag:s23], $0x1800  }
0x21: {  	[sflag:s23] =	ssyncset.done $0x0  }
0x22: {  	[sflag:s23] =	ssyncadd.s32 $0xFFFFE800  }
0x23: {  	_ =	swait.ge [sflag:s23], $0x1800  }
0x24: {  	[sflag:s23] =	ssyncset.done $0x0  }
0x25: {  	[sflag:s23] =	ssyncadd.s32 $0xFFFFE800  }
0x26: {  	_ =	swait.ge [sflag:s23], $0x1800  }
0x27: {  	[sflag:s23] =	ssyncset.done $0x0  }
0x28: {  	[sflag:s23] =	ssyncadd.s32 $0xFFFFE800  }
0x29: {  	_ =	swait.ge [sflag:s23], $0x1800  }
0x2a: {  	[sflag:s23] =	ssyncset.done $0x0  }
0x2b: {  	[sflag:s23] =	ssyncadd.s32 $0xFFFFE800  }
0x2c: {  	_ =	swait.ge [sflag:s23], $0x1800  }
0x2d: {  	[sflag:s23] =	ssyncset.done $0x0  }
0x2e: {  	[sflag:s23] =	ssyncadd.s32 $0xFFFFE800  }
0x2f: {  	_ =	swait.ge [sflag:s23], $0x1800  }
0x30: {  	[sflag:s23] =	ssyncset.done $0x0  }
0x31: {  	[sflag:s23] =	ssyncadd.s32 $0xFFFFE800  }
0x32: {  	_ =	swait.ge [sflag:s23], $0x1800  }
0x33: {  	[sflag:s23] =	ssyncset.done $0x0  }
0x34: {  	[sflag:s23] =	ssyncadd.s32 $0xFFFFE800  }
0x35: {  	_ =	swait.ge [sflag:s23], $0x1800  }
0x36: {  	[sflag:s23] =	ssyncset.done $0x0  }
0x37: {  	[sflag:s23] =	ssyncadd.s32 $0xFFFFE800  }
0x38: {  	_ =	swait.ge [sflag:s23], $0x1800  }
0x39: {  	[sflag:s23] =	ssyncset.done $0x0  }
0x3a: {  	[sflag:s23] =	ssyncadd.s32 $0xFFFFE800  }
0x3b: {  	_ =	swait.ge [sflag:s23], $0x1800  }
0x3c: {  	[sflag:s23] =	ssyncset.done $0x0  }
0x3d: {  	[sflag:s23] =	ssyncadd.s32 $0xFFFFE800  }
0x3e: {  	_ =	swait.ge [sflag:s23], $0x1800  }
0x3f: {  	[sflag:s23] =	ssyncset.done $0x0  }
0x40: {  	[sflag:s23] =	ssyncadd.s32 $0xFFFFE800  }
0x41: {  	_ =	swait.ge [sflag:s23], $0x1800  }
0x42: {  	[sflag:s23] =	ssyncset.done $0x0  }
0x43: {  	[sflag:s23] =	ssyncadd.s32 $0xFFFFE800  }
0x44: {  	_ =	swait.ge [sflag:s23], $0x1800  }
0x45: {  	[sflag:s23] =	ssyncset.done $0x0  }
0x46: {  	[sflag:s23] =	ssyncadd.s32 $0xFFFFE800  }
0x47: {  	_ =	swait.ge [sflag:s23], $0x1800  }
0x48: {  	[sflag:s23] =	ssyncset.done $0x0  }
0x49: {  	[sflag:s23] =	ssyncadd.s32 $0xFFFFE800  }
0x4a: {  	_ =	swait.ge [sflag:s23], $0x1800  }
0x4b: {  	[sflag:s23] =	ssyncset.done $0x0  }
0x4c: {  	[sflag:s23] =	ssyncadd.s32 $0xFFFFE800  }
0x4d: {  	_ =	swait.ge [sflag:s23], $0x1800  }
0x4e: {  	[sflag:s23] =	ssyncset.done $0x0  }
0x4f: {  	[sflag:s23] =	ssyncadd.s32 $0xFFFFE800  }
0x50: {  	_ =	swait.ge [sflag:s23], $0x1800  }
0x51: {  	[sflag:s23] =	ssyncset.done $0x0  }
0x52: {  	[sflag:s23] =	ssyncadd.s32 $0xFFFFE800  }
0x53: {  	_ =	swait.ge [sflag:s23], $0x1800  }
0x54: {  	[sflag:s23] =	ssyncset.done $0x0  }
0x55: {  	[sflag:s23] =	ssyncadd.s32 $0xFFFFE800  }
0x56: {  	_ =	swait.ge [sflag:s23], $0x1800  }
0x57: {  	[sflag:s23] =	ssyncset.done $0x0  }
0x58: {  	[sflag:s23] =	ssyncadd.s32 $0xFFFFE800  }
0x59: {  	_ =	swait.ge [sflag:s23], $0x1800  }
0x5a: {  	[sflag:s23] =	ssyncset.done $0x0  }
0x5b: {  	[sflag:s23] =	ssyncadd.s32 $0xFFFFE800  }
0x5c: {  	_ =	swait.ge [sflag:s23], $0x1800  }
0x5d: {  	[sflag:s23] =	ssyncset.done $0x0  }
0x5e: {  	[sflag:s23] =	ssyncadd.s32 $0xFFFFE800  }
0x5f: {  	_ =	swait.ge [sflag:s23], $0x1800  }
0x60: {  	[sflag:s23] =	ssyncset.done $0x0  }
0x61: {  	[sflag:s23] =	ssyncadd.s32 $0xFFFFE800  }
0x62: {  	_ =	swait.ge [sflag:s23], $0x1800  }
0x63: {  	[sflag:s23] =	ssyncset.done $0x0  }
0x64: {  	[sflag:s23] =	ssyncadd.s32 $0xFFFFE800  }
0x65: {  	_ =	swait.ge [sflag:s23], $0x1800  }
0x66: {  	[sflag:s23] =	ssyncset.done $0x0  }
0x67: {  	[sflag:s23] =	ssyncadd.s32 $0xFFFFE800  }
0x68: {  	_ =	swait.ge [sflag:s23], $0x1800  }
0x69: {  	s4 =	rddreg [dreg:$0xc]  }
0x6a: {  	s31 =	rddreg [dreg:$0x9];
	s4 =	sadd.s32 $0x1, s4  }
0x6b: {  	p0 =	sne.s32 s4, s31  }
.Ltmp1:
0x6c: {  	_ = 	snop;
	(pc) =	sbr.rel @!p0 .LBB2_5-.Ltmp1, $3  }
0x6d: {  	_ =	sdelay $0x1  }
0x6e: {  	[sflag:s23] =	ssyncset.done $0x0  }
0x6f: {  	[sflag:s23] =	ssyncadd.s32 $0xFFFFE800  }
.LBB2_1:
0x70: {  	[dreg:$0xc] =	wrdreg s4  }
0x71: {  	s2 =	rddreg [dreg:$0x7]  }
0x72: {  	[tilespmem:s6], [sflag:$0x5] =	stream.linear.gather [hbm4b:s2+s6], $0x8C0, $0x38;
	[tilespmem:$0x18900] =	vst v63  }
0x73: {  	_ =	swait.ge [sflag:s3], $0x8C0  }
0x74: {  	[sflag:s3] =	ssyncset.done $0x0  }
0x75: {  	[sflag:s3] =	ssyncadd.s32 $0xFFFFF740  }
0x76: {  	v3 =	vld [tilespmem:$0x0];
	_ =	sdelay $0x4  }
0x77: {  	v4 =	vshrl.u32 v3, $0x3  }
0x78: {  	v4 =	vmul.u32 $0x30, v4  }
0x79: {  	v3 =	vand.u32 $0x7, v3  }
0x7a: {  	v3 =	vor.u32 v3, v4  }
0x7b: {  	v4 =	vperm.xlane v3, v0;
	_ =	sdelay $0x1  }
0x7c: {  	v4 =	vadd.s32 v1, v4;
	_ =	sdelay $0x3  }
0x7d: {  	v3 =	vperm.xlane v3, v2  }
0x7e: {  	[tilespmem:s25], [sflag:$0x1] =	stream.indirect_vreg.gather [hbm4b:s1+s6], $0x80, v4, vm0, $0xb8;
	[tilespmem:$0x18900] =	vst v63  }
0x7f: {  	s24 =	simm.s32 $0x1100;
	v3 =	vadd.s32 v1, v3  }
0x80: {  	[tilespmem:s24], [sflag:$0x1] =	stream.indirect_vreg.gather [hbm4b:s11+s6], $0x80, v4, vm0, $0xb8;
	[tilespmem:$0x18900] =	vst v63  }
0x81: {  	s25 =	simm.s32 $0x1900  }
0x82: {  	[tilespmem:s25], [sflag:$0x1] =	stream.indirect_vreg.gather [hbm4b:s12+s6], $0x80, v4, vm0, $0xb8;
	[tilespmem:$0x18900] =	vst v63  }
0x83: {  	s26 =	simm.s32 $0x2100  }
0x84: {  	[tilespmem:s26], [sflag:$0x1] =	stream.indirect_vreg.gather [hbm4b:s1+s6], $0x80, v3, vm0, $0xb8;
	[tilespmem:$0x18900] =	vst v63  }
0x85: {  	s3 =	simm.s32 $0x2900  }
0x86: {  	[tilespmem:s3], [sflag:$0x1] =	stream.indirect_vreg.gather [hbm4b:s11+s6], $0x80, v3, vm0, $0xb8;
	[tilespmem:$0x18900] =	vst v63  }
0x87: {  	s4 =	simm.s32 $0x3100  }
0x88: {  	[tilespmem:s4], [sflag:$0x1] =	stream.indirect_vreg.gather [hbm4b:s12+s6], $0x80, v3, vm0, $0xb8;
	[tilespmem:$0x18900] =	vst v63  }
0x89: {  	v3 =	vld [tilespmem:$0x10];
	_ =	sdelay $0x4  }
0x8a: {  	v57 =	vshrl.u32 v3, $0x3  }
0x8b: {  	v4 =	vmul.u32 $0x30, v57  }
0x8c: {  	v3 =	vand.u32 $0x7, v3  }
0x8d: {  	v3 =	vor.u32 v3, v4  }
0x8e: {  	v4 =	vperm.xlane v3, v0;
	_ =	sdelay $0x1  }
0x8f: {  	v4 =	vadd.s32 v1, v4;
	_ =	sdelay $0x3  }
0x90: {  	s10 =	simm.s32 $0x3900;
	v3 =	vperm.xlane v3, v2  }
0x91: {  	[tilespmem:s10], [sflag:$0x1] =	stream.indirect_vreg.gather [hbm4b:s1+s6], $0x80, v4, vm0, $0xb8;
	[tilespmem:$0x18900] =	vst v63  }
0x92: {  	s18 =	simm.s32 $0x4100;
	v3 =	vadd.s32 v1, v3  }
0x93: {  	[tilespmem:s18], [sflag:$0x1] =	stream.indirect_vreg.gather [hbm4b:s11+s6], $0x80, v4, vm0, $0xb8;
	[tilespmem:$0x18900] =	vst v63  }
0x94: {  	s20 =	simm.s32 $0x4900  }
0x95: {  	[tilespmem:s20], [sflag:$0x1] =	stream.indirect_vreg.gather [hbm4b:s12+s6], $0x80, v4, vm0, $0xb8;
	[tilespmem:$0x18900] =	vst v63  }
0x96: {  	s21 =	simm.s32 $0x5100  }
0x97: {  	[tilespmem:s21], [sflag:$0x1] =	stream.indirect_vreg.gather [hbm4b:s1+s6], $0x80, v3, vm0, $0xb8;
	[tilespmem:$0x18900] =	vst v63  }
0x98: {  	s24 =	simm.s32 $0x5900  }
0x99: {  	[tilespmem:s24], [sflag:$0x1] =	stream.indirect_vreg.gather [hbm4b:s11+s6], $0x80, v3, vm0, $0xb8;
	[tilespmem:$0x18900] =	vst v63  }
0x9a: {  	s25 =	simm.s32 $0x6100  }
0x9b: {  	[tilespmem:s25], [sflag:$0x1] =	stream.indirect_vreg.gather [hbm4b:s12+s6], $0x80, v3, vm0, $0xb8;
	[tilespmem:$0x18900] =	vst v63  }
0x9c: {  	v3 =	vld [tilespmem:$0x20];
	_ =	sdelay $0x4  }
0x9d: {  	v58 =	vshrl.u32 v3, $0x3  }
0x9e: {  	v4 =	vmul.u32 $0x30, v58  }
0x9f: {  	v3 =	vand.u32 $0x7, v3  }
0xa0: {  	v3 =	vor.u32 v3, v4  }
0xa1: {  	v4 =	vperm.xlane v3, v0;
	_ =	sdelay $0x1  }
0xa2: {  	v4 =	vadd.s32 v1, v4;
	_ =	sdelay $0x3  }
0xa3: {  	s26 =	simm.s32 $0x6900;
	v3 =	vperm.xlane v3, v2  }
0xa4: {  	[tilespmem:s26], [sflag:$0x1] =	stream.indirect_vreg.gather [hbm4b:s1+s6], $0x80, v4, vm0, $0xb8;
	[tilespmem:$0x18900] =	vst v63  }
0xa5: {  	s3 =	simm.s32 $0x7100;
	v3 =	vadd.s32 v1, v3  }
0xa6: {  	[tilespmem:s3], [sflag:$0x1] =	stream.indirect_vreg.gather [hbm4b:s11+s6], $0x80, v4, vm0, $0xb8;
	[tilespmem:$0x18900] =	vst v63  }
0xa7: {  	s4 =	simm.s32 $0x7900  }
0xa8: {  	[tilespmem:s4], [sflag:$0x1] =	stream.indirect_vreg.gather [hbm4b:s12+s6], $0x80, v4, vm0, $0xb8;
	[tilespmem:$0x18900] =	vst v63  }
0xa9: {  	s10 =	simm.s32 $0x8100  }
0xaa: {  	[tilespmem:s10], [sflag:$0x1] =	stream.indirect_vreg.gather [hbm4b:s1+s6], $0x80, v3, vm0, $0xb8;
	[tilespmem:$0x18900] =	vst v63  }
0xab: {  	s18 =	simm.s32 $0x8900  }
0xac: {  	[tilespmem:s18], [sflag:$0x1] =	stream.indirect_vreg.gather [hbm4b:s11+s6], $0x80, v3, vm0, $0xb8;
	[tilespmem:$0x18900] =	vst v63  }
0xad: {  	s20 =	simm.s32 $0x9100  }
0xae: {  	[tilespmem:s20], [sflag:$0x1] =	stream.indirect_vreg.gather [hbm4b:s12+s6], $0x80, v3, vm0, $0xb8;
	[tilespmem:$0x18900] =	vst v63  }
0xaf: {  	v3 =	vld [tilespmem:$0x30];
	_ =	sdelay $0x4  }
0xb0: {  	v59 =	vshrl.u32 v3, $0x3  }
0xb1: {  	v4 =	vmul.u32 $0x30, v59  }
0xb2: {  	v3 =	vand.u32 $0x7, v3  }
0xb3: {  	v3 =	vor.u32 v3, v4  }
0xb4: {  	v4 =	vperm.xlane v3, v0;
	_ =	sdelay $0x1  }
0xb5: {  	v4 =	vadd.s32 v1, v4;
	_ =	sdelay $0x3  }
0xb6: {  	s21 =	simm.s32 $0x9900;
	v3 =	vperm.xlane v3, v2  }
0xb7: {  	[tilespmem:s21], [sflag:$0x1] =	stream.indirect_vreg.gather [hbm4b:s1+s6], $0x80, v4, vm0, $0xb8;
	[tilespmem:$0x18900] =	vst v63  }
0xb8: {  	s24 =	simm.s32 $0xA100;
	v3 =	vadd.s32 v1, v3  }
0xb9: {  	[tilespmem:s24], [sflag:$0x1] =	stream.indirect_vreg.gather [hbm4b:s11+s6], $0x80, v4, vm0, $0xb8;
	[tilespmem:$0x18900] =	vst v63  }
0xba: {  	s25 =	simm.s32 $0xA900  }
0xbb: {  	[tilespmem:s25], [sflag:$0x1] =	stream.indirect_vreg.gather [hbm4b:s12+s6], $0x80, v4, vm0, $0xb8;
	[tilespmem:$0x18900] =	vst v63  }
0xbc: {  	s26 =	simm.s32 $0xB100  }
0xbd: {  	[tilespmem:s26], [sflag:$0x1] =	stream.indirect_vreg.gather [hbm4b:s1+s6], $0x80, v3, vm0, $0xb8;
	[tilespmem:$0x18900] =	vst v63  }
0xbe: {  	s3 =	simm.s32 $0xB900  }
0xbf: {  	[tilespmem:s3], [sflag:$0x1] =	stream.indirect_vreg.gather [hbm4b:s11+s6], $0x80, v3, vm0, $0xb8;
	[tilespmem:$0x18900] =	vst v63  }
0xc0: {  	s4 =	simm.s32 $0xC100  }
0xc1: {  	[tilespmem:s4], [sflag:$0x1] =	stream.indirect_vreg.gather [hbm4b:s12+s6], $0x80, v3, vm0, $0xb8;
	[tilespmem:$0x18900] =	vst v63  }
0xc2: {  	v3 =	vld [tilespmem:$0x40];
	_ =	sdelay $0x4  }
0xc3: {  	v60 =	vshrl.u32 v3, $0x3  }
0xc4: {  	v4 =	vmul.u32 $0x30, v60  }
0xc5: {  	v3 =	vand.u32 $0x7, v3  }
0xc6: {  	v3 =	vor.u32 v3, v4  }
0xc7: {  	v4 =	vperm.xlane v3, v0;
	_ =	sdelay $0x1  }
0xc8: {  	v4 =	vadd.s32 v1, v4;
	_ =	sdelay $0x3  }
0xc9: {  	s10 =	simm.s32 $0xC900;
	v3 =	vperm.xlane v3, v2  }
0xca: {  	[tilespmem:s10], [sflag:$0x2] =	stream.indirect_vreg.gather [hbm4b:s1+s6], $0x80, v4, vm0, $0xb8;
	[tilespmem:$0x18900] =	vst v63  }
0xcb: {  	s18 =	simm.s32 $0xD100;
	v3 =	vadd.s32 v1, v3  }
0xcc: {  	[tilespmem:s18], [sflag:$0x2] =	stream.indirect_vreg.gather [hbm4b:s11+s6], $0x80, v4, vm0, $0xb8;
	[tilespmem:$0x18900] =	vst v63  }
0xcd: {  	s20 =	simm.s32 $0xD900  }
0xce: {  	[tilespmem:s20], [sflag:$0x2] =	stream.indirect_vreg.gather [hbm4b:s12+s6], $0x80, v4, vm0, $0xb8;
	[tilespmem:$0x18900] =	vst v63  }
0xcf: {  	s21 =	simm.s32 $0xE100  }
0xd0: {  	[tilespmem:s21], [sflag:$0x2] =	stream.indirect_vreg.gather [hbm4b:s1+s6], $0x80, v3, vm0, $0xb8;
	[tilespmem:$0x18900] =	vst v63  }
0xd1: {  	s24 =	simm.s32 $0xE900  }
0xd2: {  	[tilespmem:s24], [sflag:$0x2] =	stream.indirect_vreg.gather [hbm4b:s11+s6], $0x80, v3, vm0, $0xb8;
	[tilespmem:$0x18900] =	vst v63  }
0xd3: {  	s25 =	simm.s32 $0xF100  }
0xd4: {  	[tilespmem:s25], [sflag:$0x2] =	stream.indirect_vreg.gather [hbm4b:s12+s6], $0x80, v3, vm0, $0xb8;
	[tilespmem:$0x18900] =	vst v63  }
0xd5: {  	v3 =	vld [tilespmem:$0x50];
	_ =	sdelay $0x4  }
0xd6: {  	v61 =	vshrl.u32 v3, $0x3  }
0xd7: {  	v4 =	vmul.u32 $0x30, v61  }
0xd8: {  	v3 =	vand.u32 $0x7, v3  }
0xd9: {  	v3 =	vor.u32 v3, v4  }
0xda: {  	v4 =	vperm.xlane v3, v0;
	_ =	sdelay $0x1  }
0xdb: {  	v4 =	vadd.s32 v1, v4;
	_ =	sdelay $0x3  }
0xdc: {  	s26 =	simm.s32 $0xF900;
	v3 =	vperm.xlane v3, v2  }
0xdd: {  	[tilespmem:s26], [sflag:$0x2] =	stream.indirect_vreg.gather [hbm4b:s1+s6], $0x80, v4, vm0, $0xb8;
	[tilespmem:$0x18900] =	vst v63  }
0xde: {  	s3 =	simm.s32 $0x10100;
	v3 =	vadd.s32 v1, v3  }
0xdf: {  	[tilespmem:s3], [sflag:$0x2] =	stream.indirect_vreg.gather [hbm4b:s11+s6], $0x80, v4, vm0, $0xb8;
	[tilespmem:$0x18900] =	vst v63  }
0xe0: {  	s4 =	simm.s32 $0x10900  }
0xe1: {  	[tilespmem:s4], [sflag:$0x2] =	stream.indirect_vreg.gather [hbm4b:s12+s6], $0x80, v4, vm0, $0xb8;
	[tilespmem:$0x18900] =	vst v63  }
0xe2: {  	s10 =	simm.s32 $0x11100  }
0xe3: {  	[tilespmem:s10], [sflag:$0x2] =	stream.indirect_vreg.gather [hbm4b:s1+s6], $0x80, v3, vm0, $0xb8;
	[tilespmem:$0x18900] =	vst v63  }
0xe4: {  	s18 =	simm.s32 $0x11900  }
0xe5: {  	[tilespmem:s18], [sflag:$0x2] =	stream.indirect_vreg.gather [hbm4b:s11+s6], $0x80, v3, vm0, $0xb8;
	[tilespmem:$0x18900] =	vst v63  }
0xe6: {  	s20 =	simm.s32 $0x12100  }
0xe7: {  	[tilespmem:s20], [sflag:$0x2] =	stream.indirect_vreg.gather [hbm4b:s12+s6], $0x80, v3, vm0, $0xb8;
	[tilespmem:$0x18900] =	vst v63  }
0xe8: {  	v3 =	vld [tilespmem:$0x60];
	_ =	sdelay $0x4  }
0xe9: {  	v62 =	vshrl.u32 v3, $0x3  }
0xea: {  	v4 =	vmul.u32 $0x30, v62  }
0xeb: {  	v3 =	vand.u32 $0x7, v3  }
0xec: {  	v3 =	vor.u32 v3, v4  }
0xed: {  	v4 =	vperm.xlane v3, v0;
	_ =	sdelay $0x1  }
0xee: {  	v4 =	vadd.s32 v1, v4;
	_ =	sdelay $0x3  }
0xef: {  	s21 =	simm.s32 $0x12900;
	v3 =	vperm.xlane v3, v2  }
0xf0: {  	[tilespmem:s21], [sflag:$0x2] =	stream.indirect_vreg.gather [hbm4b:s1+s6], $0x80, v4, vm0, $0xb8;
	[tilespmem:$0x18900] =	vst v63  }
0xf1: {  	s24 =	simm.s32 $0x13100;
	v3 =	vadd.s32 v1, v3  }
0xf2: {  	[tilespmem:s24], [sflag:$0x2] =	stream.indirect_vreg.gather [hbm4b:s11+s6], $0x80, v4, vm0, $0xb8;
	[tilespmem:$0x18900] =	vst v63  }
0xf3: {  	s25 =	simm.s32 $0x13900  }
0xf4: {  	[tilespmem:s25], [sflag:$0x2] =	stream.indirect_vreg.gather [hbm4b:s12+s6], $0x80, v4, vm0, $0xb8;
	[tilespmem:$0x18900] =	vst v63  }
0xf5: {  	s26 =	simm.s32 $0x14100  }
0xf6: {  	[tilespmem:s26], [sflag:$0x2] =	stream.indirect_vreg.gather [hbm4b:s1+s6], $0x80, v3, vm0, $0xb8;
	[tilespmem:$0x18900] =	vst v63  }
0xf7: {  	_ = 	snop  }
0xf8: {  	[tilespmem:s14], [sflag:$0x2] =	stream.indirect_vreg.gather [hbm4b:s11+s6], $0x80, v3, vm0, $0xb8;
	[tilespmem:$0x18900] =	vst v63  }
0xf9: {  	_ = 	snop  }
0xfa: {  	[tilespmem:s28], [sflag:$0x2] =	stream.indirect_vreg.gather [hbm4b:s12+s6], $0x80, v3, vm0, $0xb8;
	[tilespmem:$0x18900] =	vst v63  }
0xfb: {  	v3 =	vld [tilespmem:$0x70];
	_ =	sdelay $0x4  }
0xfc: {  	v63 =	vshrl.u32 v3, $0x3  }
0xfd: {  	v4 =	vmul.u32 $0x30, v63  }
0xfe: {  	v3 =	vand.u32 $0x7, v3  }
0xff: {  	v3 =	vor.u32 v3, v4  }
0x100: {  	v4 =	vperm.xlane v3, v0;
	_ =	sdelay $0x1  }
0x101: {  	v4 =	vadd.s32 v1, v4;
	_ =	sdelay $0x3  }
0x102: {  	v3 =	vperm.xlane v3, v2  }
0x103: {  	[tilespmem:s19], [sflag:$0x2] =	stream.indirect_vreg.gather [hbm4b:s1+s6], $0x80, v4, vm0, $0xb8;
	[tilespmem:$0x18900] =	vst v63  }
0x104: {  	v3 =	vadd.s32 v1, v3  }
0x105: {  	[tilespmem:s9], [sflag:$0x2] =	stream.indirect_vreg.gather [hbm4b:s11+s6], $0x80, v4, vm0, $0xb8;
	[tilespmem:$0x18900] =	vst v63  }
0x106: {  	_ = 	snop  }
0x107: {  	[tilespmem:s29], [sflag:$0x2] =	stream.indirect_vreg.gather [hbm4b:s12+s6], $0x80, v4, vm0, $0xb8;
	[tilespmem:$0x18900] =	vst v63  }
0x108: {  	s31 =	rddreg [dreg:$0x6]  }
0x109: {  	[tilespmem:s15], [sflag:$0x2] =	stream.indirect_vreg.gather [hbm4b:s1+s6], $0x80, v3, vm0, $0xb8;
	[tilespmem:$0x18900] =	vst v63  }
0x10a: {  	s2 =	simm.s32 $0x0;
	s4 =	rddreg [dreg:$0xa]  }
0x10b: {  	[tilespmem:s22], [sflag:$0x2] =	stream.indirect_vreg.gather [hbm4b:s11+s6], $0x80, v3, vm0, $0xb8;
	[tilespmem:$0x18900] =	vst v63  }
0x10c: {  	s3 =	simm.s32 $0x0;
	s18 =	simm.s32 $0xF0;
	s24 =	rddreg [dreg:$0xb]  }
0x10d: {  	[tilespmem:s16], [sflag:$0x2] =	stream.indirect_vreg.gather [hbm4b:s12+s6], $0x80, v3, vm0, $0xb8;
	[tilespmem:$0x18900] =	vst v63  }
.LBB2_2:
0x10e: {  	p0 =	sgt.u32 s3, $0xC  }
0x10f: {  	s20 =	sadd.s32 @p0 s2, s7  }
0x110: {  	s20 =	sadd.s32 @p0 $0xFFFFFCE0, s20  }
0x111: {  	s20 =	sshrl.u32 @p0 s20, $0x4  }
0x112: {  	_ =	swait.ge [sflag:s30], $0xC000;
	s20 =	smul.u32 @p0 $0xC0000, s20  }
0x113: {  	[sflag:s30] =	ssyncset.done $0x0;
	s21 =	simm.s32 @p0 $0x0  }
0x114: {  	s10 =	simm.s32 @p0 $0x900;
	s25 =	sadd.s32 @p0 s8, s20;
	s20 =	sadd.s32 s2, s7  }
0x115: {  	p1 =	sne.s32 @!p0 s13, $0x0;
	s25 =	sshrl.u32 @p0 s25, $0x3;
	p2 =	seq.s32 @!p0 s20, $0x0  }
0x116: {  	[sflag:s30] =	ssyncadd.s32 $0xFFFF4000;
	s25 =	sadd.s32 @p0 s5, s25;
	p1 =	por @!p0 !p1, !p2  }
0x117: {  	[hbm4b:s25+s21] =	stream.linear.scatter @p0 [tilespmem:s10], [sflag:$0x5], $0xC000, $0x38;
	[tilespmem:$0x18900] =	vst v63  }
0x118: {  	p1 =	por @!p0 !p1, !p1  }
0x119: {  	s10 =	simm.s32 @!p0 $0x1;
	p1 =	por !p1, p0  }
0x11a: {  	s10 =	simm.s32 @p1 $0x0  }
0x11b: {  	s21 =	simm.s32 @p0 $0x5;
	s10 =	ssub.s32 @!p0 s31, s10  }
0x11c: {  	_ =	swait.ge @p0 [sflag:s21], $0xC000;
	s10 =	smul.u32 @!p0 $0xC0000, s10  }
0x11d: {  	[sflag:s21] =	ssyncset.done @p0 $0x0  }
0x11e: {  	[sflag:s21] =	ssyncadd.s32 @p0 $0xFFFF4000;
	s10 =	sadd.s32 @!p0 s8, s10  }
0x11f: {  	s21 =	rddreg [dreg:$0x2];
	s10 =	sshrl.u32 @!p0 s10, $0x3  }
0x120: {  	s26 =	simm.s32 @!p0 $0x900;
	s25 =	simm.s32 @!p0 $0x0;
	s21 =	sadd.s32 @!p0 s21, s10  }
0x121: {  	[hbm4b:s21+s25] =	stream.linear.scatter @!p0 [tilespmem:s26], [sflag:$0x3], $0xC000, $0x38;
	[tilespmem:$0x18900] =	vst v63  }
0x122: {  	s25 =	simm.s32 @!p0 $0x3  }
0x123: {  	_ =	swait.ge @!p0 [sflag:s25], $0xC000  }
0x124: {  	[sflag:s25] =	ssyncset.done @!p0 $0x0  }
0x125: {  	[sflag:s25] =	ssyncadd.s32 @!p0 $0xFFFF4000  }
0x126: {  	s26 =	sshll.u32 @!p0 s0, $0x6;
	s25 =	rddreg [dreg:$0x3]  }
0x127: {  	s10 =	sadd.s32 @!p0 s25, s10;
	s25 =	sor.u32 @!p0 $0x1C04, s26  }
0x128: {  	[hbm:s10], [sflag:s25] =	dma.local @!p0 [hbm:s21], $0x1800  }
0x129: {  	v3 =	vld [tilespmem:s18+$0xFFFFFF90];
	_ =	sdelay $0x4  }
0x12a: {  	v4 =	vshrl.u32 v3, $0x3  }
0x12b: {  	v4 =	vmul.u32 $0x30, v4  }
0x12c: {  	v3 =	vand.u32 $0x7, v3  }
0x12d: {  	v3 =	vor.u32 v3, v4  }
0x12e: {  	v4 =	vperm.xlane v3, v0;
	_ =	sdelay $0x1  }
0x12f: {  	v4 =	vadd.s32 v1, v4;
	_ =	sdelay $0x3  }
0x130: {  	s25 =	simm.s32 $0x900;
	v3 =	vperm.xlane v3, v2  }
0x131: {  	[tilespmem:s25], [sflag:$0x1] =	stream.indirect_vreg.gather [hbm4b:s1+s6], $0x80, v4, vm0, $0xb8;
	[tilespmem:$0x18900] =	vst v63  }
0x132: {  	s21 =	simm.s32 $0x1100;
	v3 =	vadd.s32 v1, v3  }
0x133: {  	[tilespmem:s21], [sflag:$0x1] =	stream.indirect_vreg.gather [hbm4b:s11+s6], $0x80, v4, vm0, $0xb8;
	[tilespmem:$0x18900] =	vst v63  }
0x134: {  	s26 =	simm.s32 $0x1900  }
0x135: {  	[tilespmem:s26], [sflag:$0x1] =	stream.indirect_vreg.gather [hbm4b:s12+s6], $0x80, v4, vm0, $0xb8;
	[tilespmem:$0x18900] =	vst v63  }
0x136: {  	s21 =	simm.s32 $0x2100  }
0x137: {  	[tilespmem:s21], [sflag:$0x1] =	stream.indirect_vreg.gather [hbm4b:s1+s6], $0x80, v3, vm0, $0xb8;
	[tilespmem:$0x18900] =	vst v63  }
0x138: {  	s26 =	simm.s32 $0x2900  }
0x139: {  	[tilespmem:s26], [sflag:$0x1] =	stream.indirect_vreg.gather [hbm4b:s11+s6], $0x80, v3, vm0, $0xb8;
	[tilespmem:$0x18900] =	vst v63  }
0x13a: {  	s21 =	simm.s32 $0x3100  }
0x13b: {  	[tilespmem:s21], [sflag:$0x1] =	stream.indirect_vreg.gather [hbm4b:s12+s6], $0x80, v3, vm0, $0xb8;
	[tilespmem:$0x18900] =	vst v63  }
0x13c: {  	v3 =	vld [tilespmem:s18+$0xFFFFFFA0];
	_ =	sdelay $0x4  }
0x13d: {  	v61 =	vshrl.u32 v3, $0x3  }
0x13e: {  	v4 =	vmul.u32 $0x30, v61  }
0x13f: {  	v3 =	vand.u32 $0x7, v3  }
0x140: {  	v3 =	vor.u32 v3, v4  }
0x141: {  	v4 =	vperm.xlane v3, v0;
	_ =	sdelay $0x1  }
0x142: {  	v4 =	vadd.s32 v1, v4;
	_ =	sdelay $0x3  }
0x143: {  	s26 =	simm.s32 $0x3900;
	v3 =	vperm.xlane v3, v2  }
0x144: {  	[tilespmem:s26], [sflag:$0x1] =	stream.indirect_vreg.gather [hbm4b:s1+s6], $0x80, v4, vm0, $0xb8;
	[tilespmem:$0x18900] =	vst v63  }
0x145: {  	s21 =	simm.s32 $0x4100;
	v3 =	vadd.s32 v1, v3  }
0x146: {  	[tilespmem:s21], [sflag:$0x1] =	stream.indirect_vreg.gather [hbm4b:s11+s6], $0x80, v4, vm0, $0xb8;
	[tilespmem:$0x18900] =	vst v63  }
0x147: {  	s26 =	simm.s32 $0x4900  }
0x148: {  	[tilespmem:s26], [sflag:$0x1] =	stream.indirect_vreg.gather [hbm4b:s12+s6], $0x80, v4, vm0, $0xb8;
	[tilespmem:$0x18900] =	vst v63  }
0x149: {  	s21 =	simm.s32 $0x5100  }
0x14a: {  	[tilespmem:s21], [sflag:$0x1] =	stream.indirect_vreg.gather [hbm4b:s1+s6], $0x80, v3, vm0, $0xb8;
	[tilespmem:$0x18900] =	vst v63  }
0x14b: {  	s26 =	simm.s32 $0x5900  }
0x14c: {  	[tilespmem:s26], [sflag:$0x1] =	stream.indirect_vreg.gather [hbm4b:s11+s6], $0x80, v3, vm0, $0xb8;
	[tilespmem:$0x18900] =	vst v63  }
0x14d: {  	s21 =	simm.s32 $0x6100  }
0x14e: {  	[tilespmem:s21], [sflag:$0x1] =	stream.indirect_vreg.gather [hbm4b:s12+s6], $0x80, v3, vm0, $0xb8;
	[tilespmem:$0x18900] =	vst v63  }
0x14f: {  	v3 =	vld [tilespmem:s18+$0xFFFFFFB0];
	_ =	sdelay $0x4  }
0x150: {  	v62 =	vshrl.u32 v3, $0x3  }
0x151: {  	v4 =	vmul.u32 $0x30, v62  }
0x152: {  	v3 =	vand.u32 $0x7, v3  }
0x153: {  	v3 =	vor.u32 v3, v4  }
0x154: {  	v4 =	vperm.xlane v3, v0;
	_ =	sdelay $0x1  }
0x155: {  	v4 =	vadd.s32 v1, v4;
	_ =	sdelay $0x3  }
0x156: {  	s26 =	simm.s32 $0x6900;
	v3 =	vperm.xlane v3, v2  }
0x157: {  	[tilespmem:s26], [sflag:$0x1] =	stream.indirect_vreg.gather [hbm4b:s1+s6], $0x80, v4, vm0, $0xb8;
	[tilespmem:$0x18900] =	vst v63  }
0x158: {  	s21 =	simm.s32 $0x7100;
	v3 =	vadd.s32 v1, v3  }
0x159: {  	[tilespmem:s21], [sflag:$0x1] =	stream.indirect_vreg.gather [hbm4b:s11+s6], $0x80, v4, vm0, $0xb8;
	[tilespmem:$0x18900] =	vst v63  }
0x15a: {  	s26 =	simm.s32 $0x7900  }
0x15b: {  	[tilespmem:s26], [sflag:$0x1] =	stream.indirect_vreg.gather [hbm4b:s12+s6], $0x80, v4, vm0, $0xb8;
	[tilespmem:$0x18900] =	vst v63  }
0x15c: {  	s21 =	simm.s32 $0x8100  }
0x15d: {  	[tilespmem:s21], [sflag:$0x1] =	stream.indirect_vreg.gather [hbm4b:s1+s6], $0x80, v3, vm0, $0xb8;
	[tilespmem:$0x18900] =	vst v63  }
0x15e: {  	s26 =	simm.s32 $0x8900  }
0x15f: {  	[tilespmem:s26], [sflag:$0x1] =	stream.indirect_vreg.gather [hbm4b:s11+s6], $0x80, v3, vm0, $0xb8;
	[tilespmem:$0x18900] =	vst v63  }
0x160: {  	s21 =	simm.s32 $0x9100  }
0x161: {  	[tilespmem:s21], [sflag:$0x1] =	stream.indirect_vreg.gather [hbm4b:s12+s6], $0x80, v3, vm0, $0xb8;
	[tilespmem:$0x18900] =	vst v63  }
0x162: {  	v3 =	vld [tilespmem:s18+$0xFFFFFFC0];
	_ =	sdelay $0x4  }
0x163: {  	v63 =	vshrl.u32 v3, $0x3  }
0x164: {  	v4 =	vmul.u32 $0x30, v63  }
0x165: {  	v3 =	vand.u32 $0x7, v3  }
0x166: {  	v3 =	vor.u32 v3, v4  }
0x167: {  	v4 =	vperm.xlane v3, v0;
	_ =	sdelay $0x1  }
0x168: {  	v4 =	vadd.s32 v1, v4;
	_ =	sdelay $0x3  }
0x169: {  	s26 =	simm.s32 $0x9900;
	v3 =	vperm.xlane v3, v2  }
0x16a: {  	[tilespmem:s26], [sflag:$0x1] =	stream.indirect_vreg.gather [hbm4b:s1+s6], $0x80, v4, vm0, $0xb8;
	[tilespmem:$0x18900] =	vst v63  }
0x16b: {  	s21 =	simm.s32 $0xA100;
	v3 =	vadd.s32 v1, v3  }
0x16c: {  	[tilespmem:s21], [sflag:$0x1] =	stream.indirect_vreg.gather [hbm4b:s11+s6], $0x80, v4, vm0, $0xb8;
	[tilespmem:$0x18900] =	vst v63  }
0x16d: {  	s26 =	simm.s32 $0xA900  }
0x16e: {  	[tilespmem:s26], [sflag:$0x1] =	stream.indirect_vreg.gather [hbm4b:s12+s6], $0x80, v4, vm0, $0xb8;
	[tilespmem:$0x18900] =	vst v63  }
0x16f: {  	s21 =	simm.s32 $0xB100  }
0x170: {  	[tilespmem:s21], [sflag:$0x1] =	stream.indirect_vreg.gather [hbm4b:s1+s6], $0x80, v3, vm0, $0xb8;
	[tilespmem:$0x18900] =	vst v63  }
0x171: {  	s26 =	simm.s32 $0xB900  }
0x172: {  	[tilespmem:s26], [sflag:$0x1] =	stream.indirect_vreg.gather [hbm4b:s11+s6], $0x80, v3, vm0, $0xb8;
	[tilespmem:$0x18900] =	vst v63  }
0x173: {  	s26 =	sadd.s32 $0x20, s20  }
0x174: {  	p0 =	sgt.u32 s26, $0x31F  }
0x175: {  	s10 =	sadd.s32 @p0 s2, s7  }
0x176: {  	s10 =	sadd.s32 @p0 $0xFFFFFD00, s10  }
0x177: {  	s10 =	sshrl.u32 @p0 s10, $0x4  }
0x178: {  	s21 =	simm.s32 $0xC100;
	s10 =	smul.u32 @p0 $0xC0000, s10  }
0x179: {  	[tilespmem:s21], [sflag:$0x1] =	stream.indirect_vreg.gather [hbm4b:s12+s6], $0x80, v3, vm0, $0xb8;
	[tilespmem:$0x18900] =	vst v63  }
0x17a: {  	_ =	swait.ge [sflag:s17], $0xC000;
	s10 =	sadd.s32 @p0 s8, s10  }
0x17b: {  	s20 =	simm.s32 @p0 $0x0;
	[sflag:s17] =	ssyncset.done $0x0;
	s10 =	sshrl.u32 @p0 s10, $0x3  }
0x17c: {  	s21 =	simm.s32 @p0 $0xC900;
	[sflag:s17] =	ssyncadd.s32 $0xFFFF4000;
	s10 =	sadd.s32 @p0 s5, s10  }
0x17d: {  	[hbm4b:s10+s20] =	stream.linear.scatter @p0 [tilespmem:s21], [sflag:$0x5], $0xC000, $0x38;
	[tilespmem:$0x18900] =	vst v63  }
0x17e: {  	s10 =	simm.s32 @p0 $0x5  }
0x17f: {  	_ =	swait.ge @p0 [sflag:s10], $0xC000  }
0x180: {  	[sflag:s10] =	ssyncset.done @p0 $0x0  }
0x181: {  	s20 =	simm.s32 @!p0 $0xC900;
	[sflag:s10] =	ssyncadd.s32 @p0 $0xFFFF4000;
	s10 =	simm.s32 @!p0 $0x0  }
0x182: {  	[hbm4b:s24+s10] =	stream.linear.scatter @!p0 [tilespmem:s20], [sflag:$0x3], $0xC000, $0x38;
	[tilespmem:$0x18900] =	vst v63  }
0x183: {  	s10 =	simm.s32 @!p0 $0x3  }
0x184: {  	_ =	swait.ge @!p0 [sflag:s10], $0xC000  }
0x185: {  	s20 =	sshll.u32 @!p0 s0, $0x6;
	[sflag:s10] =	ssyncset.done @!p0 $0x0  }
0x186: {  	[sflag:s10] =	ssyncadd.s32 @!p0 $0xFFFF4000;
	s10 =	sor.u32 @!p0 $0x1C04, s20  }
0x187: {  	[hbm:s4], [sflag:s10] =	dma.local @!p0 [hbm:s24], $0x1800  }
0x188: {  	p0 =	seq.s32 s2, $0x400  }
.Ltmp2:
0x189: {  	_ = 	snop;
	(pc) =	sbr.rel @p0 .LBB2_4-.Ltmp2, $1  }
0x18a: {  	_ =	sdelay $0x3  }
0x18b: {  	v3 =	vld [tilespmem:s18+$0xFFFFFFD0];
	_ =	sdelay $0x4  }
0x18c: {  	v4 =	vshrl.u32 v3, $0x3  }
0x18d: {  	v4 =	vmul.u32 $0x30, v4  }
0x18e: {  	v3 =	vand.u32 $0x7, v3  }
0x18f: {  	v3 =	vor.u32 v3, v4  }
0x190: {  	v4 =	vperm.xlane v3, v0;
	_ =	sdelay $0x1  }
0x191: {  	v4 =	vadd.s32 v1, v4;
	_ =	sdelay $0x3  }
0x192: {  	s10 =	simm.s32 $0xC900;
	v3 =	vperm.xlane v3, v2  }
0x193: {  	[tilespmem:s10], [sflag:$0x2] =	stream.indirect_vreg.gather [hbm4b:s1+s6], $0x80, v4, vm0, $0xb8;
	[tilespmem:$0x18900] =	vst v63  }
0x194: {  	s21 =	simm.s32 $0xD100;
	v3 =	vadd.s32 v1, v3  }
0x195: {  	[tilespmem:s21], [sflag:$0x2] =	stream.indirect_vreg.gather [hbm4b:s11+s6], $0x80, v4, vm0, $0xb8;
	[tilespmem:$0x18900] =	vst v63  }
0x196: {  	s25 =	simm.s32 $0xD900  }
0x197: {  	[tilespmem:s25], [sflag:$0x2] =	stream.indirect_vreg.gather [hbm4b:s12+s6], $0x80, v4, vm0, $0xb8;
	[tilespmem:$0x18900] =	vst v63  }
0x198: {  	s26 =	simm.s32 $0xE100  }
0x199: {  	[tilespmem:s26], [sflag:$0x2] =	stream.indirect_vreg.gather [hbm4b:s1+s6], $0x80, v3, vm0, $0xb8;
	[tilespmem:$0x18900] =	vst v63  }
0x19a: {  	s20 =	simm.s32 $0xE900  }
0x19b: {  	[tilespmem:s20], [sflag:$0x2] =	stream.indirect_vreg.gather [hbm4b:s11+s6], $0x80, v3, vm0, $0xb8;
	[tilespmem:$0x18900] =	vst v63  }
0x19c: {  	s21 =	simm.s32 $0xF100  }
0x19d: {  	[tilespmem:s21], [sflag:$0x2] =	stream.indirect_vreg.gather [hbm4b:s12+s6], $0x80, v3, vm0, $0xb8;
	[tilespmem:$0x18900] =	vst v63  }
0x19e: {  	v3 =	vld [tilespmem:s18+$0xFFFFFFE0];
	_ =	sdelay $0x4  }
0x19f: {  	v61 =	vshrl.u32 v3, $0x3  }
0x1a0: {  	v4 =	vmul.u32 $0x30, v61  }
0x1a1: {  	v3 =	vand.u32 $0x7, v3  }
0x1a2: {  	v3 =	vor.u32 v3, v4  }
0x1a3: {  	v4 =	vperm.xlane v3, v0;
	_ =	sdelay $0x1  }
0x1a4: {  	v4 =	vadd.s32 v1, v4;
	_ =	sdelay $0x3  }
0x1a5: {  	s25 =	simm.s32 $0xF900;
	v3 =	vperm.xlane v3, v2  }
0x1a6: {  	[tilespmem:s25], [sflag:$0x2] =	stream.indirect_vreg.gather [hbm4b:s1+s6], $0x80, v4, vm0, $0xb8;
	[tilespmem:$0x18900] =	vst v63  }
0x1a7: {  	s26 =	simm.s32 $0x10100;
	v3 =	vadd.s32 v1, v3  }
0x1a8: {  	[tilespmem:s26], [sflag:$0x2] =	stream.indirect_vreg.gather [hbm4b:s11+s6], $0x80, v4, vm0, $0xb8;
	[tilespmem:$0x18900] =	vst v63  }
0x1a9: {  	s20 =	simm.s32 $0x10900  }
0x1aa: {  	[tilespmem:s20], [sflag:$0x2] =	stream.indirect_vreg.gather [hbm4b:s12+s6], $0x80, v4, vm0, $0xb8;
	[tilespmem:$0x18900] =	vst v63  }
0x1ab: {  	s21 =	simm.s32 $0x11100  }
0x1ac: {  	[tilespmem:s21], [sflag:$0x2] =	stream.indirect_vreg.gather [hbm4b:s1+s6], $0x80, v3, vm0, $0xb8;
	[tilespmem:$0x18900] =	vst v63  }
0x1ad: {  	s25 =	simm.s32 $0x11900  }
0x1ae: {  	[tilespmem:s25], [sflag:$0x2] =	stream.indirect_vreg.gather [hbm4b:s11+s6], $0x80, v3, vm0, $0xb8;
	[tilespmem:$0x18900] =	vst v63  }
0x1af: {  	s26 =	simm.s32 $0x12100  }
0x1b0: {  	[tilespmem:s26], [sflag:$0x2] =	stream.indirect_vreg.gather [hbm4b:s12+s6], $0x80, v3, vm0, $0xb8;
	[tilespmem:$0x18900] =	vst v63  }
0x1b1: {  	v3 =	vld [tilespmem:s18+$0xFFFFFFF0];
	_ =	sdelay $0x4  }
0x1b2: {  	v62 =	vshrl.u32 v3, $0x3  }
0x1b3: {  	v4 =	vmul.u32 $0x30, v62  }
0x1b4: {  	v3 =	vand.u32 $0x7, v3  }
0x1b5: {  	v3 =	vor.u32 v3, v4  }
0x1b6: {  	v4 =	vperm.xlane v3, v0;
	_ =	sdelay $0x1  }
0x1b7: {  	v4 =	vadd.s32 v1, v4;
	_ =	sdelay $0x3  }
0x1b8: {  	s20 =	simm.s32 $0x12900;
	v3 =	vperm.xlane v3, v2  }
0x1b9: {  	[tilespmem:s20], [sflag:$0x2] =	stream.indirect_vreg.gather [hbm4b:s1+s6], $0x80, v4, vm0, $0xb8;
	[tilespmem:$0x18900] =	vst v63  }
0x1ba: {  	s21 =	simm.s32 $0x13100;
	v3 =	vadd.s32 v1, v3  }
0x1bb: {  	[tilespmem:s21], [sflag:$0x2] =	stream.indirect_vreg.gather [hbm4b:s11+s6], $0x80, v4, vm0, $0xb8;
	[tilespmem:$0x18900] =	vst v63  }
0x1bc: {  	s25 =	simm.s32 $0x13900  }
0x1bd: {  	[tilespmem:s25], [sflag:$0x2] =	stream.indirect_vreg.gather [hbm4b:s12+s6], $0x80, v4, vm0, $0xb8;
	[tilespmem:$0x18900] =	vst v63  }
0x1be: {  	s26 =	simm.s32 $0x14100  }
0x1bf: {  	[tilespmem:s26], [sflag:$0x2] =	stream.indirect_vreg.gather [hbm4b:s1+s6], $0x80, v3, vm0, $0xb8;
	[tilespmem:$0x18900] =	vst v63  }
0x1c0: {  	_ = 	snop  }
0x1c1: {  	[tilespmem:s14], [sflag:$0x2] =	stream.indirect_vreg.gather [hbm4b:s11+s6], $0x80, v3, vm0, $0xb8;
	[tilespmem:$0x18900] =	vst v63  }
0x1c2: {  	_ = 	snop  }
0x1c3: {  	[tilespmem:s28], [sflag:$0x2] =	stream.indirect_vreg.gather [hbm4b:s12+s6], $0x80, v3, vm0, $0xb8;
	[tilespmem:$0x18900] =	vst v63  }
0x1c4: {  	v3 =	vld [tilespmem:s18+$0x0];
	_ =	sdelay $0x4  }
0x1c5: {  	v63 =	vshrl.u32 v3, $0x3  }
0x1c6: {  	v4 =	vmul.u32 $0x30, v63  }
0x1c7: {  	v3 =	vand.u32 $0x7, v3  }
0x1c8: {  	v3 =	vor.u32 v3, v4  }
0x1c9: {  	v4 =	vperm.xlane v3, v0;
	_ =	sdelay $0x1  }
0x1ca: {  	v4 =	vadd.s32 v1, v4;
	_ =	sdelay $0x3  }
0x1cb: {  	v3 =	vperm.xlane v3, v2  }
0x1cc: {  	[tilespmem:s19], [sflag:$0x2] =	stream.indirect_vreg.gather [hbm4b:s1+s6], $0x80, v4, vm0, $0xb8;
	[tilespmem:$0x18900] =	vst v63  }
0x1cd: {  	v3 =	vadd.s32 v1, v3  }
0x1ce: {  	[tilespmem:s9], [sflag:$0x2] =	stream.indirect_vreg.gather [hbm4b:s11+s6], $0x80, v4, vm0, $0xb8;
	[tilespmem:$0x18900] =	vst v63  }
0x1cf: {  	_ = 	snop  }
0x1d0: {  	[tilespmem:s29], [sflag:$0x2] =	stream.indirect_vreg.gather [hbm4b:s12+s6], $0x80, v4, vm0, $0xb8;
	[tilespmem:$0x18900] =	vst v63  }
0x1d1: {  	_ = 	snop  }
0x1d2: {  	[tilespmem:s15], [sflag:$0x2] =	stream.indirect_vreg.gather [hbm4b:s1+s6], $0x80, v3, vm0, $0xb8;
	[tilespmem:$0x18900] =	vst v63  }
.Ltmp3:
0x1d3: {  	_ = 	snop;
	(pc) =	sbr.rel .LBB2_2-.Ltmp3, $4  }
0x1d4: {  	s3 =	sadd.s32 $0x1, s3;
	s4 =	sadd.s32 $0x60000, s4;
	s24 =	sadd.s32 $0x60000, s24  }
0x1d5: {  	[tilespmem:s22], [sflag:$0x2] =	stream.indirect_vreg.gather [hbm4b:s11+s6], $0x80, v3, vm0, $0xb8;
	[tilespmem:$0x18900] =	vst v63  }
0x1d6: {  	s2 =	sadd.s32 $0x40, s2;
	s31 =	sadd.s32 $0x4, s31;
	s18 =	sadd.s32 $0x80, s18  }
0x1d7: {  	[tilespmem:s16], [sflag:$0x2] =	stream.indirect_vreg.gather [hbm4b:s12+s6], $0x80, v3, vm0, $0xb8;
	[tilespmem:$0x18900] =	vst v63  }
.LBB2_5:
0x1d8: {  	_ =	sfence.sel $0x180000  }
0x1d9: {  	[bflag:$0x0] =	sbarrier.arrive $0xFFFF  }
0x1da: {  	_ =	strace $0x90000047  }
0x1db: {  	[bflag:$0x2] =	sbarrier.arrive $0xFFFF  }
0x1dc: {  	p0 =	sne.s32 s0, $0x0;
	s0 =	rddreg [dreg:$0x5]  }
0x1dd: {  	s0 =	sadd.s32 @!p0 $0x100000, s0  }
0x1de: {  	[sflag:s0] =	ssyncadd.tile.s32 @!p0 $0x1;
	_ =	shalt  }
.Lfunc_end2:
_tile_overlayer_lowered:
.L_overlay_start_2:
0x1df: {  	(tag) =	ssettag $0x2  }
0x1e0: {  	s0 =	rddreg [dreg:$0x0];
	s2 =	stileid.u32  }
0x1e1: {  	s1 =	rddreg [dreg:$0x1];
	p0 =	sne.s32 s2, $0x0  }
0x1e2: {  	s3 =	rddreg [dreg:$0x2];
	[bflag:$0x3] =	sbarrier.arrive $0xFFFF;
	s2 =	simm.s32 @!p0 $0x1C05  }
0x1e3: {  	[timem:s3], [sflag:s2] =	dma.local @!p0 [hbm:s0], s1  }
0x1e4: {  	s0 =	simm.s32 @!p0 $0x5  }
0x1e5: {  	_ =	swait.ge @!p0 [sflag:s0], s1  }
0x1e6: {  	s1 =	ssub.s32 @!p0 $0x0, s1;
	[sflag:s0] =	ssyncset.done @!p0 $0x0  }
0x1e7: {  	[sflag:s0] =	ssyncadd.s32 @!p0 s1  }
0x1e8: {  	[bflag:$0x3] =	sbarrier.arrive $0xFFFF  }
0x1e9: {  	_ =	shalt  }

</sc_bundles>
